<compile_context>
chip_gen: v7x
topology: tpu7x:2x2x1
jax: 0.10.2.dev20260603
libtpu: 0.0.44.dev20260713+nightly
codegen_flags: <defaults>
</compile_context>

<pallas_src>
import functools

import jax
import jax.numpy as jnp
from jax import lax
from jax.experimental import pallas as pl
from jax.experimental.pallas import tpu as pltpu
from jax.experimental.pallas import tpu_sc as plsc

CTX = 8192
DIM = 1024

R_STREAM = 4080
ROWS_C = 24
NBUF_S = 3

R_DMA = CTX - R_STREAM
ROWS_D = 256
NBUF_D = 3


def _chunk_schedule(total, step):
    chunks = []
    r = 0
    while r < total:
        c = min(step, total - r)
        chunks.append((r, c))
        r += c
    return chunks


@jax.jit
def _lookup(table):
    info = plsc.get_sparse_core_info()
    nc = info.num_cores
    ns = info.num_subcores
    n_stream_w = nc * (ns - 1)
    rows_per_sw = R_STREAM // n_stream_w
    rows_per_core_d = R_DMA // nc
    s_chunks = _chunk_schedule(rows_per_sw, ROWS_C)
    d_chunks = _chunk_schedule(rows_per_core_d, ROWS_D)

    mesh = plsc.VectorSubcoreMesh(core_axis_name="c", subcore_axis_name="s")

    @functools.partial(
        pl.kernel,
        mesh=mesh,
        out_type=jax.ShapeDtypeStruct((CTX, DIM), jnp.float32),
        scratch_types=(
            [pltpu.VMEM((ROWS_C, DIM), jnp.float32)] * NBUF_S
            + [pltpu.VMEM_SHARED((ROWS_D, DIM), jnp.float32)] * NBUF_D
            + [pltpu.SemaphoreType.DMA] * (2 * max(NBUF_S, NBUF_D))
        ),
    )
    def copy_kernel(table_hbm, out_hbm, *scratch):
        sbufs = scratch[:NBUF_S]
        dbufs = scratch[NBUF_S : NBUF_S + NBUF_D]
        nsem = max(NBUF_S, NBUF_D)
        rsems = scratch[NBUF_S + NBUF_D : NBUF_S + NBUF_D + nsem]
        wsems = scratch[NBUF_S + NBUF_D + nsem :]
        c = lax.axis_index("c")
        s = lax.axis_index("s")

        def run_ring(base, chunks, bufs, nbuf):
            def start_read(g):
                off, cn = chunks[g]
                b = g % nbuf
                return pltpu.async_copy(
                    table_hbm.at[pl.ds(base + off, cn)],
                    bufs[b].at[pl.ds(0, cn)],
                    rsems[b],
                )

            reads = [None] * nbuf
            writes = [None] * nbuf
            reads[0] = start_read(0)
            for g in range(len(chunks)):
                b = g % nbuf
                off, cn = chunks[g]
                if g + 1 < len(chunks):
                    nb = (g + 1) % nbuf
                    if writes[nb] is not None:
                        writes[nb].wait()
                        writes[nb] = None
                    reads[nb] = start_read(g + 1)
                reads[b].wait()
                writes[b] = pltpu.async_copy(
                    bufs[b].at[pl.ds(0, cn)],
                    out_hbm.at[pl.ds(base + off, cn)],
                    wsems[b],
                )
            for w in writes:
                if w is not None:
                    w.wait()

        @pl.when(s > 0)
        def _stream_path():
            w = (s - 1) * nc + c
            run_ring(w * rows_per_sw, s_chunks, sbufs, NBUF_S)

        @pl.when(s == 0)
        def _dma_path():
            run_ring(R_STREAM + c * rows_per_core_d, d_chunks, dbufs, NBUF_D)

    return copy_kernel(table)


def kernel(table):
    return _lookup(table)

# --- scband reference (transcript-rebuilt; emitter-appended) ---
"""Pipeline reference for scband-positional-embeddings-7645041787190 (READ-ONLY COPY).

The authoritative reference and input builder live on the scoring server;
editing this copy changes nothing except your own understanding.
"""

import jax, jax.numpy as jnp
import numpy as np

CONTEXT_LENGTH = 8192
OUTPUT_DIM = 1024

def setup_inputs(seed: int = 0) -> dict:
    key = jax.random.key(seed)
    # nn.Embedding weight init: N(0, 1)
    table = jax.random.normal(key, (CONTEXT_LENGTH, OUTPUT_DIM), dtype=jnp.float32)
    return {"table": table}

def reference(table):
    positions = jnp.arange(CONTEXT_LENGTH)
    # embedding lookup: gather rows of the table
    out = jnp.take(table, positions, axis=0)
    return out

if __name__ == "__main__":
    import jax
    _d = setup_inputs()
    print(jax.jit(kernel)(*tuple(_d.values())))

</pallas_src>

<mosaic_0001>
#map = affine_map<(d0, d1) -> (0, 0)>
module attributes {stable_mosaic.version = 14 : i64} {
  func.func @copy_kernel(%arg0: i32, %arg1: i32, %arg2: memref<8192x1024xf32, #tpu.memory_space<hbm>>, %arg3: memref<8192x1024xf32, #tpu.memory_space<hbm>>, %arg4: memref<24x1024xf32, #tpu.memory_space<vmem>>, %arg5: memref<24x1024xf32, #tpu.memory_space<vmem>>, %arg6: memref<24x1024xf32, #tpu.memory_space<vmem>>, %arg7: memref<256x1024xf32, #tpu.memory_space<vmem_shared>>, %arg8: memref<256x1024xf32, #tpu.memory_space<vmem_shared>>, %arg9: memref<256x1024xf32, #tpu.memory_space<vmem_shared>>, %arg10: memref<!tpu.dma_semaphore, #tpu.memory_space<semaphore_mem>>, %arg11: memref<!tpu.dma_semaphore, #tpu.memory_space<semaphore_mem>>, %arg12: memref<!tpu.dma_semaphore, #tpu.memory_space<semaphore_mem>>, %arg13: memref<!tpu.dma_semaphore, #tpu.memory_space<semaphore_mem>>, %arg14: memref<!tpu.dma_semaphore, #tpu.memory_space<semaphore_mem>>, %arg15: memref<!tpu.dma_semaphore, #tpu.memory_space<semaphore_mem>>) attributes {dimension_semantics = [#tpu.dimension_semantics<core_parallel>, #tpu.dimension_semantics<subcore_parallel>], iteration_bounds = array<i64: 2, 16>, scalar_prefetch = 0 : i64, scratch_operands = 12 : i64, tpu.core_type = #tpu.core_type<sc_vector_subcore>, window_params = [{transform_indices = #map}, {transform_indices = #map}]} {
    %gt3A = arith.constant 0 : i32
    %gt3A_0 = arith.cmpi sgt, %arg1, %gt3A : i32
    %convert_element_type3A = arith.extui %gt3A_0 : i1 to i32
    %cond3A = arith.constant 0 : i32
    %cond3A_1 = arith.cmpi ne, %convert_element_type3A, %cond3A : i32
    scf.if %cond3A_1 {
      %sub3A = arith.constant 1 : i32
      %sub3A_6 = arith.subi %arg1, %sub3A : i32
      %mul3A = arith.constant 2 : i32
      %mul3A_7 = arith.muli %sub3A_6, %mul3A : i32
      %add3A = arith.addi %mul3A_7, %arg0 : i32
      %mul3A_8 = arith.constant 136 : i32
      %mul3A_9 = arith.muli %add3A, %mul3A_8 : i32
      %add3A_10 = arith.constant 0 : i32
      %add3A_11 = arith.addi %mul3A_9, %add3A_10 : i32
      %dma_start3A = arith.constant 0 : i32
      %dma_start3A_12 = arith.constant 0 : i32
      %dma_start3A_13 = tpu.memref_slice %arg4[%dma_start3A, %dma_start3A_12] : memref<24x1024xf32, #tpu.memory_space<vmem>> -> memref<24x1024xf32, #tpu.memory_space<vmem>>
      %dma_start3A_14 = arith.constant 0 : i32
      %dma_start3A_15 = tpu.memref_slice %arg2[%add3A_11, %dma_start3A_14] : memref<8192x1024xf32, #tpu.memory_space<hbm>> -> memref<24x1024xf32, #tpu.memory_space<hbm>>
      %dma_start3A_16 = arith.constant 0 : i32
      %dma_start3A_17 = arith.constant 0 : i32
      %dma_start3A_18 = tpu.memref_slice %arg4[%dma_start3A_16, %dma_start3A_17] : memref<24x1024xf32, #tpu.memory_space<vmem>> -> memref<24x1024xf32, #tpu.memory_space<vmem>>
      %dma_start3A_19 = arith.constant 0 : i32
      %dma_start3A_20 = tpu.memref_slice %arg2[%add3A_11, %dma_start3A_19] : memref<8192x1024xf32, #tpu.memory_space<hbm>> -> memref<24x1024xf32, #tpu.memory_space<hbm>>
      tpu.enqueue_dma source(%dma_start3A_20 : memref<24x1024xf32, #tpu.memory_space<hbm>>) target(%dma_start3A_18 : memref<24x1024xf32, #tpu.memory_space<vmem>>) target_semaphore(%arg10 : memref<!tpu.dma_semaphore, #tpu.memory_space<semaphore_mem>>)
      %add3A_21 = arith.constant 24 : i32
      %add3A_22 = arith.addi %mul3A_9, %add3A_21 : i32
      %dma_start3A_23 = arith.constant 0 : i32
      %dma_start3A_24 = arith.constant 0 : i32
      %dma_start3A_25 = tpu.memref_slice %arg5[%dma_start3A_23, %dma_start3A_24] : memref<24x1024xf32, #tpu.memory_space<vmem>> -> memref<24x1024xf32, #tpu.memory_space<vmem>>
      %dma_start3A_26 = arith.constant 0 : i32
      %dma_start3A_27 = tpu.memref_slice %arg2[%add3A_22, %dma_start3A_26] : memref<8192x1024xf32, #tpu.memory_space<hbm>> -> memref<24x1024xf32, #tpu.memory_space<hbm>>
      %dma_start3A_28 = arith.constant 0 : i32
      %dma_start3A_29 = arith.constant 0 : i32
      %dma_start3A_30 = tpu.memref_slice %arg5[%dma_start3A_28, %dma_start3A_29] : memref<24x1024xf32, #tpu.memory_space<vmem>> -> memref<24x1024xf32, #tpu.memory_space<vmem>>
      %dma_start3A_31 = arith.constant 0 : i32
      %dma_start3A_32 = tpu.memref_slice %arg2[%add3A_22, %dma_start3A_31] : memref<8192x1024xf32, #tpu.memory_space<hbm>> -> memref<24x1024xf32, #tpu.memory_space<hbm>>
      tpu.enqueue_dma source(%dma_start3A_32 : memref<24x1024xf32, #tpu.memory_space<hbm>>) target(%dma_start3A_30 : memref<24x1024xf32, #tpu.memory_space<vmem>>) target_semaphore(%arg11 : memref<!tpu.dma_semaphore, #tpu.memory_space<semaphore_mem>>)
      %dma_wait3A = arith.constant 0 : i32
      %dma_wait3A_33 = arith.constant 0 : i32
      %dma_wait3A_34 = tpu.memref_slice %arg4[%dma_wait3A, %dma_wait3A_33] : memref<24x1024xf32, #tpu.memory_space<vmem>> -> memref<24x1024xf32, #tpu.memory_space<vmem>>
      %dma_wait3A_35 = arith.constant 0 : i32
      %dma_wait3A_36 = tpu.memref_slice %arg2[%add3A_11, %dma_wait3A_35] : memref<8192x1024xf32, #tpu.memory_space<hbm>> -> memref<24x1024xf32, #tpu.memory_space<hbm>>
      %dma_wait3A_37 = arith.constant 0 : i32
      %dma_wait3A_38 = arith.constant 0 : i32
      %dma_wait3A_39 = tpu.memref_slice %arg4[%dma_wait3A_37, %dma_wait3A_38] : memref<24x1024xf32, #tpu.memory_space<vmem>> -> memref<24x1024xf32, #tpu.memory_space<vmem>>
      %dma_wait3A_40 = arith.constant 0 : i32
      %dma_wait3A_41 = tpu.memref_slice %arg2[%add3A_11, %dma_wait3A_40] : memref<8192x1024xf32, #tpu.memory_space<hbm>> -> memref<24x1024xf32, #tpu.memory_space<hbm>>
      tpu.wait_dma2 semaphore(%arg10 : memref<!tpu.dma_semaphore, #tpu.memory_space<semaphore_mem>>) src(%dma_wait3A_41 : memref<24x1024xf32, #tpu.memory_space<hbm>>) dst(%dma_wait3A_39 : memref<24x1024xf32, #tpu.memory_space<vmem>>)
      %add3A_42 = arith.constant 0 : i32
      %add3A_43 = arith.addi %mul3A_9, %add3A_42 : i32
      %dma_start3A_44 = arith.constant 0 : i32
      %dma_start3A_45 = arith.constant 0 : i32
      %dma_start3A_46 = tpu.memref_slice %arg4[%dma_start3A_44, %dma_start3A_45] : memref<24x1024xf32, #tpu.memory_space<vmem>> -> memref<24x1024xf32, #tpu.memory_space<vmem>>
      %dma_start3A_47 = arith.constant 0 : i32
      %dma_start3A_48 = tpu.memref_slice %arg3[%add3A_43, %dma_start3A_47] : memref<8192x1024xf32, #tpu.memory_space<hbm>> -> memref<24x1024xf32, #tpu.memory_space<hbm>>
      %dma_start3A_49 = arith.constant 0 : i32
      %dma_start3A_50 = tpu.memref_slice %arg3[%add3A_43, %dma_start3A_49] : memref<8192x1024xf32, #tpu.memory_space<hbm>> -> memref<24x1024xf32, #tpu.memory_space<hbm>>
      %dma_start3A_51 = arith.constant 0 : i32
      %dma_start3A_52 = arith.constant 0 : i32
      %dma_start3A_53 = tpu.memref_slice %arg4[%dma_start3A_51, %dma_start3A_52] : memref<24x1024xf32, #tpu.memory_space<vmem>> -> memref<24x1024xf32, #tpu.memory_space<vmem>>
      tpu.enqueue_dma source(%dma_start3A_53 : memref<24x1024xf32, #tpu.memory_space<vmem>>) target(%dma_start3A_50 : memref<24x1024xf32, #tpu.memory_space<hbm>>) target_semaphore(%arg13 : memref<!tpu.dma_semaphore, #tpu.memory_space<semaphore_mem>>)
      %add3A_54 = arith.constant 48 : i32
      %add3A_55 = arith.addi %mul3A_9, %add3A_54 : i32
      %dma_start3A_56 = arith.constant 0 : i32
      %dma_start3A_57 = arith.constant 0 : i32
      %dma_start3A_58 = tpu.memref_slice %arg6[%dma_start3A_56, %dma_start3A_57] : memref<24x1024xf32, #tpu.memory_space<vmem>> -> memref<24x1024xf32, #tpu.memory_space<vmem>>
      %dma_start3A_59 = arith.constant 0 : i32
      %dma_start3A_60 = tpu.memref_slice %arg2[%add3A_55, %dma_start3A_59] : memref<8192x1024xf32, #tpu.memory_space<hbm>> -> memref<24x1024xf32, #tpu.memory_space<hbm>>
      %dma_start3A_61 = arith.constant 0 : i32
      %dma_start3A_62 = arith.constant 0 : i32
      %dma_start3A_63 = tpu.memref_slice %arg6[%dma_start3A_61, %dma_start3A_62] : memref<24x1024xf32, #tpu.memory_space<vmem>> -> memref<24x1024xf32, #tpu.memory_space<vmem>>
      %dma_start3A_64 = arith.constant 0 : i32
      %dma_start3A_65 = tpu.memref_slice %arg2[%add3A_55, %dma_start3A_64] : memref<8192x1024xf32, #tpu.memory_space<hbm>> -> memref<24x1024xf32, #tpu.memory_space<hbm>>
      tpu.enqueue_dma source(%dma_start3A_65 : memref<24x1024xf32, #tpu.memory_space<hbm>>) target(%dma_start3A_63 : memref<24x1024xf32, #tpu.memory_space<vmem>>) target_semaphore(%arg12 : memref<!tpu.dma_semaphore, #tpu.memory_space<semaphore_mem>>)
      %dma_wait3A_66 = arith.constant 0 : i32
      %dma_wait3A_67 = arith.constant 0 : i32
      %dma_wait3A_68 = tpu.memref_slice %arg5[%dma_wait3A_66, %dma_wait3A_67] : memref<24x1024xf32, #tpu.memory_space<vmem>> -> memref<24x1024xf32, #tpu.memory_space<vmem>>
      %dma_wait3A_69 = arith.constant 0 : i32
      %dma_wait3A_70 = tpu.memref_slice %arg2[%add3A_22, %dma_wait3A_69] : memref<8192x1024xf32, #tpu.memory_space<hbm>> -> memref<24x1024xf32, #tpu.memory_space<hbm>>
      %dma_wait3A_71 = arith.constant 0 : i32
      %dma_wait3A_72 = arith.constant 0 : i32
      %dma_wait3A_73 = tpu.memref_slice %arg5[%dma_wait3A_71, %dma_wait3A_72] : memref<24x1024xf32, #tpu.memory_space<vmem>> -> memref<24x1024xf32, #tpu.memory_space<vmem>>
      %dma_wait3A_74 = arith.constant 0 : i32
      %dma_wait3A_75 = tpu.memref_slice %arg2[%add3A_22, %dma_wait3A_74] : memref<8192x1024xf32, #tpu.memory_space<hbm>> -> memref<24x1024xf32, #tpu.memory_space<hbm>>
      tpu.wait_dma2 semaphore(%arg11 : memref<!tpu.dma_semaphore, #tpu.memory_space<semaphore_mem>>) src(%dma_wait3A_75 : memref<24x1024xf32, #tpu.memory_space<hbm>>) dst(%dma_wait3A_73 : memref<24x1024xf32, #tpu.memory_space<vmem>>)
      %add3A_76 = arith.constant 24 : i32
      %add3A_77 = arith.addi %mul3A_9, %add3A_76 : i32
      %dma_start3A_78 = arith.constant 0 : i32
      %dma_start3A_79 = arith.constant 0 : i32
      %dma_start3A_80 = tpu.memref_slice %arg5[%dma_start3A_78, %dma_start3A_79] : memref<24x1024xf32, #tpu.memory_space<vmem>> -> memref<24x1024xf32, #tpu.memory_space<vmem>>
      %dma_start3A_81 = arith.constant 0 : i32
      %dma_start3A_82 = tpu.memref_slice %arg3[%add3A_77, %dma_start3A_81] : memref<8192x1024xf32, #tpu.memory_space<hbm>> -> memref<24x1024xf32, #tpu.memory_space<hbm>>
      %dma_start3A_83 = arith.constant 0 : i32
      %dma_start3A_84 = tpu.memref_slice %arg3[%add3A_77, %dma_start3A_83] : memref<8192x1024xf32, #tpu.memory_space<hbm>> -> memref<24x1024xf32, #tpu.memory_space<hbm>>
      %dma_start3A_85 = arith.constant 0 : i32
      %dma_start3A_86 = arith.constant 0 : i32
      %dma_start3A_87 = tpu.memref_slice %arg5[%dma_start3A_85, %dma_start3A_86] : memref<24x1024xf32, #tpu.memory_space<vmem>> -> memref<24x1024xf32, #tpu.memory_space<vmem>>
      tpu.enqueue_dma source(%dma_start3A_87 : memref<24x1024xf32, #tpu.memory_space<vmem>>) target(%dma_start3A_84 : memref<24x1024xf32, #tpu.memory_space<hbm>>) target_semaphore(%arg14 : memref<!tpu.dma_semaphore, #tpu.memory_space<semaphore_mem>>)
      %dma_wait3A_88 = arith.constant 0 : i32
      %dma_wait3A_89 = arith.constant 0 : i32
      %dma_wait3A_90 = tpu.memref_slice %arg4[%dma_wait3A_88, %dma_wait3A_89] : memref<24x1024xf32, #tpu.memory_space<vmem>> -> memref<24x1024xf32, #tpu.memory_space<vmem>>
      %dma_wait3A_91 = arith.constant 0 : i32
      %dma_wait3A_92 = tpu.memref_slice %arg3[%add3A_43, %dma_wait3A_91] : memref<8192x1024xf32, #tpu.memory_space<hbm>> -> memref<24x1024xf32, #tpu.memory_space<hbm>>
      %dma_wait3A_93 = arith.constant 0 : i32
      %dma_wait3A_94 = tpu.memref_slice %arg3[%add3A_43, %dma_wait3A_93] : memref<8192x1024xf32, #tpu.memory_space<hbm>> -> memref<24x1024xf32, #tpu.memory_space<hbm>>
      %dma_wait3A_95 = arith.constant 0 : i32
      %dma_wait3A_96 = arith.constant 0 : i32
      %dma_wait3A_97 = tpu.memref_slice %arg4[%dma_wait3A_95, %dma_wait3A_96] : memref<24x1024xf32, #tpu.memory_space<vmem>> -> memref<24x1024xf32, #tpu.memory_space<vmem>>
      tpu.wait_dma2 semaphore(%arg13 : memref<!tpu.dma_semaphore, #tpu.memory_space<semaphore_mem>>) src(%dma_wait3A_97 : memref<24x1024xf32, #tpu.memory_space<vmem>>) dst(%dma_wait3A_94 : memref<24x1024xf32, #tpu.memory_space<hbm>>)
      %add3A_98 = arith.constant 72 : i32
      %add3A_99 = arith.addi %mul3A_9, %add3A_98 : i32
      %dma_start3A_100 = arith.constant 0 : i32
      %dma_start3A_101 = arith.constant 0 : i32
      %dma_start3A_102 = tpu.memref_slice %arg4[%dma_start3A_100, %dma_start3A_101] : memref<24x1024xf32, #tpu.memory_space<vmem>> -> memref<24x1024xf32, #tpu.memory_space<vmem>>
      %dma_start3A_103 = arith.constant 0 : i32
      %dma_start3A_104 = tpu.memref_slice %arg2[%add3A_99, %dma_start3A_103] : memref<8192x1024xf32, #tpu.memory_space<hbm>> -> memref<24x1024xf32, #tpu.memory_space<hbm>>
      %dma_start3A_105 = arith.constant 0 : i32
      %dma_start3A_106 = arith.constant 0 : i32
      %dma_start3A_107 = tpu.memref_slice %arg4[%dma_start3A_105, %dma_start3A_106] : memref<24x1024xf32, #tpu.memory_space<vmem>> -> memref<24x1024xf32, #tpu.memory_space<vmem>>
      %dma_start3A_108 = arith.constant 0 : i32
      %dma_start3A_109 = tpu.memref_slice %arg2[%add3A_99, %dma_start3A_108] : memref<8192x1024xf32, #tpu.memory_space<hbm>> -> memref<24x1024xf32, #tpu.memory_space<hbm>>
      tpu.enqueue_dma source(%dma_start3A_109 : memref<24x1024xf32, #tpu.memory_space<hbm>>) target(%dma_start3A_107 : memref<24x1024xf32, #tpu.memory_space<vmem>>) target_semaphore(%arg10 : memref<!tpu.dma_semaphore, #tpu.memory_space<semaphore_mem>>)
      %dma_wait3A_110 = arith.constant 0 : i32
      %dma_wait3A_111 = arith.constant 0 : i32
      %dma_wait3A_112 = tpu.memref_slice %arg6[%dma_wait3A_110, %dma_wait3A_111] : memref<24x1024xf32, #tpu.memory_space<vmem>> -> memref<24x1024xf32, #tpu.memory_space<vmem>>
      %dma_wait3A_113 = arith.constant 0 : i32
      %dma_wait3A_114 = tpu.memref_slice %arg2[%add3A_55, %dma_wait3A_113] : memref<8192x1024xf32, #tpu.memory_space<hbm>> -> memref<24x1024xf32, #tpu.memory_space<hbm>>
      %dma_wait3A_115 = arith.constant 0 : i32
      %dma_wait3A_116 = arith.constant 0 : i32
      %dma_wait3A_117 = tpu.memref_slice %arg6[%dma_wait3A_115, %dma_wait3A_116] : memref<24x1024xf32, #tpu.memory_space<vmem>> -> memref<24x1024xf32, #tpu.memory_space<vmem>>
      %dma_wait3A_118 = arith.constant 0 : i32
      %dma_wait3A_119 = tpu.memref_slice %arg2[%add3A_55, %dma_wait3A_118] : memref<8192x1024xf32, #tpu.memory_space<hbm>> -> memref<24x1024xf32, #tpu.memory_space<hbm>>
      tpu.wait_dma2 semaphore(%arg12 : memref<!tpu.dma_semaphore, #tpu.memory_space<semaphore_mem>>) src(%dma_wait3A_119 : memref<24x1024xf32, #tpu.memory_space<hbm>>) dst(%dma_wait3A_117 : memref<24x1024xf32, #tpu.memory_space<vmem>>)
      %add3A_120 = arith.constant 48 : i32
      %add3A_121 = arith.addi %mul3A_9, %add3A_120 : i32
      %dma_start3A_122 = arith.constant 0 : i32
      %dma_start3A_123 = arith.constant 0 : i32
      %dma_start3A_124 = tpu.memref_slice %arg6[%dma_start3A_122, %dma_start3A_123] : memref<24x1024xf32, #tpu.memory_space<vmem>> -> memref<24x1024xf32, #tpu.memory_space<vmem>>
      %dma_start3A_125 = arith.constant 0 : i32
      %dma_start3A_126 = tpu.memref_slice %arg3[%add3A_121, %dma_start3A_125] : memref<8192x1024xf32, #tpu.memory_space<hbm>> -> memref<24x1024xf32, #tpu.memory_space<hbm>>
      %dma_start3A_127 = arith.constant 0 : i32
      %dma_start3A_128 = tpu.memref_slice %arg3[%add3A_121, %dma_start3A_127] : memref<8192x1024xf32, #tpu.memory_space<hbm>> -> memref<24x1024xf32, #tpu.memory_space<hbm>>
      %dma_start3A_129 = arith.constant 0 : i32
      %dma_start3A_130 = arith.constant 0 : i32
      %dma_start3A_131 = tpu.memref_slice %arg6[%dma_start3A_129, %dma_start3A_130] : memref<24x1024xf32, #tpu.memory_space<vmem>> -> memref<24x1024xf32, #tpu.memory_space<vmem>>
      tpu.enqueue_dma source(%dma_start3A_131 : memref<24x1024xf32, #tpu.memory_space<vmem>>) target(%dma_start3A_128 : memref<24x1024xf32, #tpu.memory_space<hbm>>) target_semaphore(%arg15 : memref<!tpu.dma_semaphore, #tpu.memory_space<semaphore_mem>>)
      %dma_wait3A_132 = arith.constant 0 : i32
      %dma_wait3A_133 = arith.constant 0 : i32
      %dma_wait3A_134 = tpu.memref_slice %arg5[%dma_wait3A_132, %dma_wait3A_133] : memref<24x1024xf32, #tpu.memory_space<vmem>> -> memref<24x1024xf32, #tpu.memory_space<vmem>>
      %dma_wait3A_135 = arith.constant 0 : i32
      %dma_wait3A_136 = tpu.memref_slice %arg3[%add3A_77, %dma_wait3A_135] : memref<8192x1024xf32, #tpu.memory_space<hbm>> -> memref<24x1024xf32, #tpu.memory_space<hbm>>
      %dma_wait3A_137 = arith.constant 0 : i32
      %dma_wait3A_138 = tpu.memref_slice %arg3[%add3A_77, %dma_wait3A_137] : memref<8192x1024xf32, #tpu.memory_space<hbm>> -> memref<24x1024xf32, #tpu.memory_space<hbm>>
      %dma_wait3A_139 = arith.constant 0 : i32
      %dma_wait3A_140 = arith.constant 0 : i32
      %dma_wait3A_141 = tpu.memref_slice %arg5[%dma_wait3A_139, %dma_wait3A_140] : memref<24x1024xf32, #tpu.memory_space<vmem>> -> memref<24x1024xf32, #tpu.memory_space<vmem>>
      tpu.wait_dma2 semaphore(%arg14 : memref<!tpu.dma_semaphore, #tpu.memory_space<semaphore_mem>>) src(%dma_wait3A_141 : memref<24x1024xf32, #tpu.memory_space<vmem>>) dst(%dma_wait3A_138 : memref<24x1024xf32, #tpu.memory_space<hbm>>)
      %add3A_142 = arith.constant 96 : i32
      %add3A_143 = arith.addi %mul3A_9, %add3A_142 : i32
      %dma_start3A_144 = arith.constant 0 : i32
      %dma_start3A_145 = arith.constant 0 : i32
      %dma_start3A_146 = tpu.memref_slice %arg5[%dma_start3A_144, %dma_start3A_145] : memref<24x1024xf32, #tpu.memory_space<vmem>> -> memref<24x1024xf32, #tpu.memory_space<vmem>>
      %dma_start3A_147 = arith.constant 0 : i32
      %dma_start3A_148 = tpu.memref_slice %arg2[%add3A_143, %dma_start3A_147] : memref<8192x1024xf32, #tpu.memory_space<hbm>> -> memref<24x1024xf32, #tpu.memory_space<hbm>>
      %dma_start3A_149 = arith.constant 0 : i32
      %dma_start3A_150 = arith.constant 0 : i32
      %dma_start3A_151 = tpu.memref_slice %arg5[%dma_start3A_149, %dma_start3A_150] : memref<24x1024xf32, #tpu.memory_space<vmem>> -> memref<24x1024xf32, #tpu.memory_space<vmem>>
      %dma_start3A_152 = arith.constant 0 : i32
      %dma_start3A_153 = tpu.memref_slice %arg2[%add3A_143, %dma_start3A_152] : memref<8192x1024xf32, #tpu.memory_space<hbm>> -> memref<24x1024xf32, #tpu.memory_space<hbm>>
      tpu.enqueue_dma source(%dma_start3A_153 : memref<24x1024xf32, #tpu.memory_space<hbm>>) target(%dma_start3A_151 : memref<24x1024xf32, #tpu.memory_space<vmem>>) target_semaphore(%arg11 : memref<!tpu.dma_semaphore, #tpu.memory_space<semaphore_mem>>)
      %dma_wait3A_154 = arith.constant 0 : i32
      %dma_wait3A_155 = arith.constant 0 : i32
      %dma_wait3A_156 = tpu.memref_slice %arg4[%dma_wait3A_154, %dma_wait3A_155] : memref<24x1024xf32, #tpu.memory_space<vmem>> -> memref<24x1024xf32, #tpu.memory_space<vmem>>
      %dma_wait3A_157 = arith.constant 0 : i32
      %dma_wait3A_158 = tpu.memref_slice %arg2[%add3A_99, %dma_wait3A_157] : memref<8192x1024xf32, #tpu.memory_space<hbm>> -> memref<24x1024xf32, #tpu.memory_space<hbm>>
      %dma_wait3A_159 = arith.constant 0 : i32
      %dma_wait3A_160 = arith.constant 0 : i32
      %dma_wait3A_161 = tpu.memref_slice %arg4[%dma_wait3A_159, %dma_wait3A_160] : memref<24x1024xf32, #tpu.memory_space<vmem>> -> memref<24x1024xf32, #tpu.memory_space<vmem>>
      %dma_wait3A_162 = arith.constant 0 : i32
      %dma_wait3A_163 = tpu.memref_slice %arg2[%add3A_99, %dma_wait3A_162] : memref<8192x1024xf32, #tpu.memory_space<hbm>> -> memref<24x1024xf32, #tpu.memory_space<hbm>>
      tpu.wait_dma2 semaphore(%arg10 : memref<!tpu.dma_semaphore, #tpu.memory_space<semaphore_mem>>) src(%dma_wait3A_163 : memref<24x1024xf32, #tpu.memory_space<hbm>>) dst(%dma_wait3A_161 : memref<24x1024xf32, #tpu.memory_space<vmem>>)
      %add3A_164 = arith.constant 72 : i32
      %add3A_165 = arith.addi %mul3A_9, %add3A_164 : i32
      %dma_start3A_166 = arith.constant 0 : i32
      %dma_start3A_167 = arith.constant 0 : i32
      %dma_start3A_168 = tpu.memref_slice %arg4[%dma_start3A_166, %dma_start3A_167] : memref<24x1024xf32, #tpu.memory_space<vmem>> -> memref<24x1024xf32, #tpu.memory_space<vmem>>
      %dma_start3A_169 = arith.constant 0 : i32
      %dma_start3A_170 = tpu.memref_slice %arg3[%add3A_165, %dma_start3A_169] : memref<8192x1024xf32, #tpu.memory_space<hbm>> -> memref<24x1024xf32, #tpu.memory_space<hbm>>
      %dma_start3A_171 = arith.constant 0 : i32
      %dma_start3A_172 = tpu.memref_slice %arg3[%add3A_165, %dma_start3A_171] : memref<8192x1024xf32, #tpu.memory_space<hbm>> -> memref<24x1024xf32, #tpu.memory_space<hbm>>
      %dma_start3A_173 = arith.constant 0 : i32
      %dma_start3A_174 = arith.constant 0 : i32
      %dma_start3A_175 = tpu.memref_slice %arg4[%dma_start3A_173, %dma_start3A_174] : memref<24x1024xf32, #tpu.memory_space<vmem>> -> memref<24x1024xf32, #tpu.memory_space<vmem>>
      tpu.enqueue_dma source(%dma_start3A_175 : memref<24x1024xf32, #tpu.memory_space<vmem>>) target(%dma_start3A_172 : memref<24x1024xf32, #tpu.memory_space<hbm>>) target_semaphore(%arg13 : memref<!tpu.dma_semaphore, #tpu.memory_space<semaphore_mem>>)
      %dma_wait3A_176 = arith.constant 0 : i32
      %dma_wait3A_177 = arith.constant 0 : i32
      %dma_wait3A_178 = tpu.memref_slice %arg6[%dma_wait3A_176, %dma_wait3A_177] : memref<24x1024xf32, #tpu.memory_space<vmem>> -> memref<24x1024xf32, #tpu.memory_space<vmem>>
      %dma_wait3A_179 = arith.constant 0 : i32
      %dma_wait3A_180 = tpu.memref_slice %arg3[%add3A_121, %dma_wait3A_179] : memref<8192x1024xf32, #tpu.memory_space<hbm>> -> memref<24x1024xf32, #tpu.memory_space<hbm>>
      %dma_wait3A_181 = arith.constant 0 : i32
      %dma_wait3A_182 = tpu.memref_slice %arg3[%add3A_121, %dma_wait3A_181] : memref<8192x1024xf32, #tpu.memory_space<hbm>> -> memref<24x1024xf32, #tpu.memory_space<hbm>>
      %dma_wait3A_183 = arith.constant 0 : i32
      %dma_wait3A_184 = arith.constant 0 : i32
      %dma_wait3A_185 = tpu.memref_slice %arg6[%dma_wait3A_183, %dma_wait3A_184] : memref<24x1024xf32, #tpu.memory_space<vmem>> -> memref<24x1024xf32, #tpu.memory_space<vmem>>
      tpu.wait_dma2 semaphore(%arg15 : memref<!tpu.dma_semaphore, #tpu.memory_space<semaphore_mem>>) src(%dma_wait3A_185 : memref<24x1024xf32, #tpu.memory_space<vmem>>) dst(%dma_wait3A_182 : memref<24x1024xf32, #tpu.memory_space<hbm>>)
      %add3A_186 = arith.constant 120 : i32
      %add3A_187 = arith.addi %mul3A_9, %add3A_186 : i32
      %dma_start3A_188 = arith.constant 0 : i32
      %dma_start3A_189 = arith.constant 0 : i32
      %dma_start3A_190 = tpu.memref_slice %arg6[%dma_start3A_188, %dma_start3A_189] : memref<24x1024xf32, #tpu.memory_space<vmem>> -> memref<16x1024xf32, #tpu.memory_space<vmem>>
      %dma_start3A_191 = arith.constant 0 : i32
      %dma_start3A_192 = tpu.memref_slice %arg2[%add3A_187, %dma_start3A_191] : memref<8192x1024xf32, #tpu.memory_space<hbm>> -> memref<16x1024xf32, #tpu.memory_space<hbm>>
      %dma_start3A_193 = arith.constant 0 : i32
      %dma_start3A_194 = arith.constant 0 : i32
      %dma_start3A_195 = tpu.memref_slice %arg6[%dma_start3A_193, %dma_start3A_194] : memref<24x1024xf32, #tpu.memory_space<vmem>> -> memref<16x1024xf32, #tpu.memory_space<vmem>>
      %dma_start3A_196 = arith.constant 0 : i32
      %dma_start3A_197 = tpu.memref_slice %arg2[%add3A_187, %dma_start3A_196] : memref<8192x1024xf32, #tpu.memory_space<hbm>> -> memref<16x1024xf32, #tpu.memory_space<hbm>>
      tpu.enqueue_dma source(%dma_start3A_197 : memref<16x1024xf32, #tpu.memory_space<hbm>>) target(%dma_start3A_195 : memref<16x1024xf32, #tpu.memory_space<vmem>>) target_semaphore(%arg12 : memref<!tpu.dma_semaphore, #tpu.memory_space<semaphore_mem>>)
      %dma_wait3A_198 = arith.constant 0 : i32
      %dma_wait3A_199 = arith.constant 0 : i32
      %dma_wait3A_200 = tpu.memref_slice %arg5[%dma_wait3A_198, %dma_wait3A_199] : memref<24x1024xf32, #tpu.memory_space<vmem>> -> memref<24x1024xf32, #tpu.memory_space<vmem>>
      %dma_wait3A_201 = arith.constant 0 : i32
      %dma_wait3A_202 = tpu.memref_slice %arg2[%add3A_143, %dma_wait3A_201] : memref<8192x1024xf32, #tpu.memory_space<hbm>> -> memref<24x1024xf32, #tpu.memory_space<hbm>>
      %dma_wait3A_203 = arith.constant 0 : i32
      %dma_wait3A_204 = arith.constant 0 : i32
      %dma_wait3A_205 = tpu.memref_slice %arg5[%dma_wait3A_203, %dma_wait3A_204] : memref<24x1024xf32, #tpu.memory_space<vmem>> -> memref<24x1024xf32, #tpu.memory_space<vmem>>
      %dma_wait3A_206 = arith.constant 0 : i32
      %dma_wait3A_207 = tpu.memref_slice %arg2[%add3A_143, %dma_wait3A_206] : memref<8192x1024xf32, #tpu.memory_space<hbm>> -> memref<24x1024xf32, #tpu.memory_space<hbm>>
      tpu.wait_dma2 semaphore(%arg11 : memref<!tpu.dma_semaphore, #tpu.memory_space<semaphore_mem>>) src(%dma_wait3A_207 : memref<24x1024xf32, #tpu.memory_space<hbm>>) dst(%dma_wait3A_205 : memref<24x1024xf32, #tpu.memory_space<vmem>>)
      %add3A_208 = arith.constant 96 : i32
      %add3A_209 = arith.addi %mul3A_9, %add3A_208 : i32
      %dma_start3A_210 = arith.constant 0 : i32
      %dma_start3A_211 = arith.constant 0 : i32
      %dma_start3A_212 = tpu.memref_slice %arg5[%dma_start3A_210, %dma_start3A_211] : memref<24x1024xf32, #tpu.memory_space<vmem>> -> memref<24x1024xf32, #tpu.memory_space<vmem>>
      %dma_start3A_213 = arith.constant 0 : i32
      %dma_start3A_214 = tpu.memref_slice %arg3[%add3A_209, %dma_start3A_213] : memref<8192x1024xf32, #tpu.memory_space<hbm>> -> memref<24x1024xf32, #tpu.memory_space<hbm>>
      %dma_start3A_215 = arith.constant 0 : i32
      %dma_start3A_216 = tpu.memref_slice %arg3[%add3A_209, %dma_start3A_215] : memref<8192x1024xf32, #tpu.memory_space<hbm>> -> memref<24x1024xf32, #tpu.memory_space<hbm>>
      %dma_start3A_217 = arith.constant 0 : i32
      %dma_start3A_218 = arith.constant 0 : i32
      %dma_start3A_219 = tpu.memref_slice %arg5[%dma_start3A_217, %dma_start3A_218] : memref<24x1024xf32, #tpu.memory_space<vmem>> -> memref<24x1024xf32, #tpu.memory_space<vmem>>
      tpu.enqueue_dma source(%dma_start3A_219 : memref<24x1024xf32, #tpu.memory_space<vmem>>) target(%dma_start3A_216 : memref<24x1024xf32, #tpu.memory_space<hbm>>) target_semaphore(%arg14 : memref<!tpu.dma_semaphore, #tpu.memory_space<semaphore_mem>>)
      %dma_wait3A_220 = arith.constant 0 : i32
      %dma_wait3A_221 = arith.constant 0 : i32
      %dma_wait3A_222 = tpu.memref_slice %arg6[%dma_wait3A_220, %dma_wait3A_221] : memref<24x1024xf32, #tpu.memory_space<vmem>> -> memref<16x1024xf32, #tpu.memory_space<vmem>>
      %dma_wait3A_223 = arith.constant 0 : i32
      %dma_wait3A_224 = tpu.memref_slice %arg2[%add3A_187, %dma_wait3A_223] : memref<8192x1024xf32, #tpu.memory_space<hbm>> -> memref<16x1024xf32, #tpu.memory_space<hbm>>
      %dma_wait3A_225 = arith.constant 0 : i32
      %dma_wait3A_226 = arith.constant 0 : i32
      %dma_wait3A_227 = tpu.memref_slice %arg6[%dma_wait3A_225, %dma_wait3A_226] : memref<24x1024xf32, #tpu.memory_space<vmem>> -> memref<16x1024xf32, #tpu.memory_space<vmem>>
      %dma_wait3A_228 = arith.constant 0 : i32
      %dma_wait3A_229 = tpu.memref_slice %arg2[%add3A_187, %dma_wait3A_228] : memref<8192x1024xf32, #tpu.memory_space<hbm>> -> memref<16x1024xf32, #tpu.memory_space<hbm>>
      tpu.wait_dma2 semaphore(%arg12 : memref<!tpu.dma_semaphore, #tpu.memory_space<semaphore_mem>>) src(%dma_wait3A_229 : memref<16x1024xf32, #tpu.memory_space<hbm>>) dst(%dma_wait3A_227 : memref<16x1024xf32, #tpu.memory_space<vmem>>)
      %add3A_230 = arith.constant 120 : i32
      %add3A_231 = arith.addi %mul3A_9, %add3A_230 : i32
      %dma_start3A_232 = arith.constant 0 : i32
      %dma_start3A_233 = arith.constant 0 : i32
      %dma_start3A_234 = tpu.memref_slice %arg6[%dma_start3A_232, %dma_start3A_233] : memref<24x1024xf32, #tpu.memory_space<vmem>> -> memref<16x1024xf32, #tpu.memory_space<vmem>>
      %dma_start3A_235 = arith.constant 0 : i32
      %dma_start3A_236 = tpu.memref_slice %arg3[%add3A_231, %dma_start3A_235] : memref<8192x1024xf32, #tpu.memory_space<hbm>> -> memref<16x1024xf32, #tpu.memory_space<hbm>>
      %dma_start3A_237 = arith.constant 0 : i32
      %dma_start3A_238 = tpu.memref_slice %arg3[%add3A_231, %dma_start3A_237] : memref<8192x1024xf32, #tpu.memory_space<hbm>> -> memref<16x1024xf32, #tpu.memory_space<hbm>>
      %dma_start3A_239 = arith.constant 0 : i32
      %dma_start3A_240 = arith.constant 0 : i32
      %dma_start3A_241 = tpu.memref_slice %arg6[%dma_start3A_239, %dma_start3A_240] : memref<24x1024xf32, #tpu.memory_space<vmem>> -> memref<16x1024xf32, #tpu.memory_space<vmem>>
      tpu.enqueue_dma source(%dma_start3A_241 : memref<16x1024xf32, #tpu.memory_space<vmem>>) target(%dma_start3A_238 : memref<16x1024xf32, #tpu.memory_space<hbm>>) target_semaphore(%arg15 : memref<!tpu.dma_semaphore, #tpu.memory_space<semaphore_mem>>)
      %dma_wait3A_242 = arith.constant 0 : i32
      %dma_wait3A_243 = arith.constant 0 : i32
      %dma_wait3A_244 = tpu.memref_slice %arg4[%dma_wait3A_242, %dma_wait3A_243] : memref<24x1024xf32, #tpu.memory_space<vmem>> -> memref<24x1024xf32, #tpu.memory_space<vmem>>
      %dma_wait3A_245 = arith.constant 0 : i32
      %dma_wait3A_246 = tpu.memref_slice %arg3[%add3A_165, %dma_wait3A_245] : memref<8192x1024xf32, #tpu.memory_space<hbm>> -> memref<24x1024xf32, #tpu.memory_space<hbm>>
      %dma_wait3A_247 = arith.constant 0 : i32
      %dma_wait3A_248 = tpu.memref_slice %arg3[%add3A_165, %dma_wait3A_247] : memref<8192x1024xf32, #tpu.memory_space<hbm>> -> memref<24x1024xf32, #tpu.memory_space<hbm>>
      %dma_wait3A_249 = arith.constant 0 : i32
      %dma_wait3A_250 = arith.constant 0 : i32
      %dma_wait3A_251 = tpu.memref_slice %arg4[%dma_wait3A_249, %dma_wait3A_250] : memref<24x1024xf32, #tpu.memory_space<vmem>> -> memref<24x1024xf32, #tpu.memory_space<vmem>>
      tpu.wait_dma2 semaphore(%arg13 : memref<!tpu.dma_semaphore, #tpu.memory_space<semaphore_mem>>) src(%dma_wait3A_251 : memref<24x1024xf32, #tpu.memory_space<vmem>>) dst(%dma_wait3A_248 : memref<24x1024xf32, #tpu.memory_space<hbm>>)
      %dma_wait3A_252 = arith.constant 0 : i32
      %dma_wait3A_253 = arith.constant 0 : i32
      %dma_wait3A_254 = tpu.memref_slice %arg5[%dma_wait3A_252, %dma_wait3A_253] : memref<24x1024xf32, #tpu.memory_space<vmem>> -> memref<24x1024xf32, #tpu.memory_space<vmem>>
      %dma_wait3A_255 = arith.constant 0 : i32
      %dma_wait3A_256 = tpu.memref_slice %arg3[%add3A_209, %dma_wait3A_255] : memref<8192x1024xf32, #tpu.memory_space<hbm>> -> memref<24x1024xf32, #tpu.memory_space<hbm>>
      %dma_wait3A_257 = arith.constant 0 : i32
      %dma_wait3A_258 = tpu.memref_slice %arg3[%add3A_209, %dma_wait3A_257] : memref<8192x1024xf32, #tpu.memory_space<hbm>> -> memref<24x1024xf32, #tpu.memory_space<hbm>>
      %dma_wait3A_259 = arith.constant 0 : i32
      %dma_wait3A_260 = arith.constant 0 : i32
      %dma_wait3A_261 = tpu.memref_slice %arg5[%dma_wait3A_259, %dma_wait3A_260] : memref<24x1024xf32, #tpu.memory_space<vmem>> -> memref<24x1024xf32, #tpu.memory_space<vmem>>
      tpu.wait_dma2 semaphore(%arg14 : memref<!tpu.dma_semaphore, #tpu.memory_space<semaphore_mem>>) src(%dma_wait3A_261 : memref<24x1024xf32, #tpu.memory_space<vmem>>) dst(%dma_wait3A_258 : memref<24x1024xf32, #tpu.memory_space<hbm>>)
      %dma_wait3A_262 = arith.constant 0 : i32
      %dma_wait3A_263 = arith.constant 0 : i32
      %dma_wait3A_264 = tpu.memref_slice %arg6[%dma_wait3A_262, %dma_wait3A_263] : memref<24x1024xf32, #tpu.memory_space<vmem>> -> memref<16x1024xf32, #tpu.memory_space<vmem>>
      %dma_wait3A_265 = arith.constant 0 : i32
      %dma_wait3A_266 = tpu.memref_slice %arg3[%add3A_231, %dma_wait3A_265] : memref<8192x1024xf32, #tpu.memory_space<hbm>> -> memref<16x1024xf32, #tpu.memory_space<hbm>>
      %dma_wait3A_267 = arith.constant 0 : i32
      %dma_wait3A_268 = tpu.memref_slice %arg3[%add3A_231, %dma_wait3A_267] : memref<8192x1024xf32, #tpu.memory_space<hbm>> -> memref<16x1024xf32, #tpu.memory_space<hbm>>
      %dma_wait3A_269 = arith.constant 0 : i32
      %dma_wait3A_270 = arith.constant 0 : i32
      %dma_wait3A_271 = tpu.memref_slice %arg6[%dma_wait3A_269, %dma_wait3A_270] : memref<24x1024xf32, #tpu.memory_space<vmem>> -> memref<16x1024xf32, #tpu.memory_space<vmem>>
      tpu.wait_dma2 semaphore(%arg15 : memref<!tpu.dma_semaphore, #tpu.memory_space<semaphore_mem>>) src(%dma_wait3A_271 : memref<16x1024xf32, #tpu.memory_space<vmem>>) dst(%dma_wait3A_268 : memref<16x1024xf32, #tpu.memory_space<hbm>>)
    } else {
    }
    %eq3A = arith.constant 0 : i32
    %eq3A_2 = arith.cmpi eq, %arg1, %eq3A : i32
    %convert_element_type3A_3 = arith.extui %eq3A_2 : i1 to i32
    %cond3A_4 = arith.constant 0 : i32
    %cond3A_5 = arith.cmpi ne, %convert_element_type3A_3, %cond3A_4 : i32
    scf.if %cond3A_5 {
      %mul3A = arith.constant 2056 : i32
      %mul3A_6 = arith.muli %arg0, %mul3A : i32
      %add3A = arith.constant 4080 : i32
      %add3A_7 = arith.addi %add3A, %mul3A_6 : i32
      %add3A_8 = arith.constant 0 : i32
      %add3A_9 = arith.addi %add3A_7, %add3A_8 : i32
      %dma_start3A = arith.constant 0 : i32
      %dma_start3A_10 = arith.constant 0 : i32
      %dma_start3A_11 = tpu.memref_slice %arg7[%dma_start3A, %dma_start3A_10] : memref<256x1024xf32, #tpu.memory_space<vmem_shared>> -> memref<256x1024xf32, #tpu.memory_space<vmem_shared>>
      %dma_start3A_12 = arith.constant 0 : i32
      %dma_start3A_13 = tpu.memref_slice %arg2[%add3A_9, %dma_start3A_12] : memref<8192x1024xf32, #tpu.memory_space<hbm>> -> memref<256x1024xf32, #tpu.memory_space<hbm>>
      tpu.enqueue_dma source(%dma_start3A_13 : memref<256x1024xf32, #tpu.memory_space<hbm>>) target(%dma_start3A_11 : memref<256x1024xf32, #tpu.memory_space<vmem_shared>>) target_semaphore(%arg10 : memref<!tpu.dma_semaphore, #tpu.memory_space<semaphore_mem>>)
      %add3A_14 = arith.constant 256 : i32
      %add3A_15 = arith.addi %add3A_7, %add3A_14 : i32
      %dma_start3A_16 = arith.constant 0 : i32
      %dma_start3A_17 = arith.constant 0 : i32
      %dma_start3A_18 = tpu.memref_slice %arg8[%dma_start3A_16, %dma_start3A_17] : memref<256x1024xf32, #tpu.memory_space<vmem_shared>> -> memref<256x1024xf32, #tpu.memory_space<vmem_shared>>
      %dma_start3A_19 = arith.constant 0 : i32
      %dma_start3A_20 = tpu.memref_slice %arg2[%add3A_15, %dma_start3A_19] : memref<8192x1024xf32, #tpu.memory_space<hbm>> -> memref<256x1024xf32, #tpu.memory_space<hbm>>
      tpu.enqueue_dma source(%dma_start3A_20 : memref<256x1024xf32, #tpu.memory_space<hbm>>) target(%dma_start3A_18 : memref<256x1024xf32, #tpu.memory_space<vmem_shared>>) target_semaphore(%arg11 : memref<!tpu.dma_semaphore, #tpu.memory_space<semaphore_mem>>)
      %dma_wait3A = arith.constant 0 : i32
      %dma_wait3A_21 = arith.constant 0 : i32
      %dma_wait3A_22 = tpu.memref_slice %arg7[%dma_wait3A, %dma_wait3A_21] : memref<256x1024xf32, #tpu.memory_space<vmem_shared>> -> memref<256x1024xf32, #tpu.memory_space<vmem_shared>>
      %dma_wait3A_23 = arith.constant 0 : i32
      %dma_wait3A_24 = tpu.memref_slice %arg2[%add3A_9, %dma_wait3A_23] : memref<8192x1024xf32, #tpu.memory_space<hbm>> -> memref<256x1024xf32, #tpu.memory_space<hbm>>
      tpu.wait_dma2 semaphore(%arg10 : memref<!tpu.dma_semaphore, #tpu.memory_space<semaphore_mem>>) src(%dma_wait3A_24 : memref<256x1024xf32, #tpu.memory_space<hbm>>) dst(%dma_wait3A_22 : memref<256x1024xf32, #tpu.memory_space<vmem_shared>>)
      %add3A_25 = arith.constant 0 : i32
      %add3A_26 = arith.addi %add3A_7, %add3A_25 : i32
      %dma_start3A_27 = arith.constant 0 : i32
      %dma_start3A_28 = tpu.memref_slice %arg3[%add3A_26, %dma_start3A_27] : memref<8192x1024xf32, #tpu.memory_space<hbm>> -> memref<256x1024xf32, #tpu.memory_space<hbm>>
      %dma_start3A_29 = arith.constant 0 : i32
      %dma_start3A_30 = arith.constant 0 : i32
      %dma_start3A_31 = tpu.memref_slice %arg7[%dma_start3A_29, %dma_start3A_30] : memref<256x1024xf32, #tpu.memory_space<vmem_shared>> -> memref<256x1024xf32, #tpu.memory_space<vmem_shared>>
      tpu.enqueue_dma source(%dma_start3A_31 : memref<256x1024xf32, #tpu.memory_space<vmem_shared>>) target(%dma_start3A_28 : memref<256x1024xf32, #tpu.memory_space<hbm>>) target_semaphore(%arg13 : memref<!tpu.dma_semaphore, #tpu.memory_space<semaphore_mem>>)
      %add3A_32 = arith.constant 512 : i32
      %add3A_33 = arith.addi %add3A_7, %add3A_32 : i32
      %dma_start3A_34 = arith.constant 0 : i32
      %dma_start3A_35 = arith.constant 0 : i32
      %dma_start3A_36 = tpu.memref_slice %arg9[%dma_start3A_34, %dma_start3A_35] : memref<256x1024xf32, #tpu.memory_space<vmem_shared>> -> memref<256x1024xf32, #tpu.memory_space<vmem_shared>>
      %dma_start3A_37 = arith.constant 0 : i32
      %dma_start3A_38 = tpu.memref_slice %arg2[%add3A_33, %dma_start3A_37] : memref<8192x1024xf32, #tpu.memory_space<hbm>> -> memref<256x1024xf32, #tpu.memory_space<hbm>>
      tpu.enqueue_dma source(%dma_start3A_38 : memref<256x1024xf32, #tpu.memory_space<hbm>>) target(%dma_start3A_36 : memref<256x1024xf32, #tpu.memory_space<vmem_shared>>) target_semaphore(%arg12 : memref<!tpu.dma_semaphore, #tpu.memory_space<semaphore_mem>>)
      %dma_wait3A_39 = arith.constant 0 : i32
      %dma_wait3A_40 = arith.constant 0 : i32
      %dma_wait3A_41 = tpu.memref_slice %arg8[%dma_wait3A_39, %dma_wait3A_40] : memref<256x1024xf32, #tpu.memory_space<vmem_shared>> -> memref<256x1024xf32, #tpu.memory_space<vmem_shared>>
      %dma_wait3A_42 = arith.constant 0 : i32
      %dma_wait3A_43 = tpu.memref_slice %arg2[%add3A_15, %dma_wait3A_42] : memref<8192x1024xf32, #tpu.memory_space<hbm>> -> memref<256x1024xf32, #tpu.memory_space<hbm>>
      tpu.wait_dma2 semaphore(%arg11 : memref<!tpu.dma_semaphore, #tpu.memory_space<semaphore_mem>>) src(%dma_wait3A_43 : memref<256x1024xf32, #tpu.memory_space<hbm>>) dst(%dma_wait3A_41 : memref<256x1024xf32, #tpu.memory_space<vmem_shared>>)
      %add3A_44 = arith.constant 256 : i32
      %add3A_45 = arith.addi %add3A_7, %add3A_44 : i32
      %dma_start3A_46 = arith.constant 0 : i32
      %dma_start3A_47 = tpu.memref_slice %arg3[%add3A_45, %dma_start3A_46] : memref<8192x1024xf32, #tpu.memory_space<hbm>> -> memref<256x1024xf32, #tpu.memory_space<hbm>>
      %dma_start3A_48 = arith.constant 0 : i32
      %dma_start3A_49 = arith.constant 0 : i32
      %dma_start3A_50 = tpu.memref_slice %arg8[%dma_start3A_48, %dma_start3A_49] : memref<256x1024xf32, #tpu.memory_space<vmem_shared>> -> memref<256x1024xf32, #tpu.memory_space<vmem_shared>>
      tpu.enqueue_dma source(%dma_start3A_50 : memref<256x1024xf32, #tpu.memory_space<vmem_shared>>) target(%dma_start3A_47 : memref<256x1024xf32, #tpu.memory_space<hbm>>) target_semaphore(%arg14 : memref<!tpu.dma_semaphore, #tpu.memory_space<semaphore_mem>>)
      %dma_wait3A_51 = arith.constant 0 : i32
      %dma_wait3A_52 = tpu.memref_slice %arg3[%add3A_26, %dma_wait3A_51] : memref<8192x1024xf32, #tpu.memory_space<hbm>> -> memref<256x1024xf32, #tpu.memory_space<hbm>>
      %dma_wait3A_53 = arith.constant 0 : i32
      %dma_wait3A_54 = arith.constant 0 : i32
      %dma_wait3A_55 = tpu.memref_slice %arg7[%dma_wait3A_53, %dma_wait3A_54] : memref<256x1024xf32, #tpu.memory_space<vmem_shared>> -> memref<256x1024xf32, #tpu.memory_space<vmem_shared>>
      tpu.wait_dma2 semaphore(%arg13 : memref<!tpu.dma_semaphore, #tpu.memory_space<semaphore_mem>>) src(%dma_wait3A_55 : memref<256x1024xf32, #tpu.memory_space<vmem_shared>>) dst(%dma_wait3A_52 : memref<256x1024xf32, #tpu.memory_space<hbm>>)
      %add3A_56 = arith.constant 768 : i32
      %add3A_57 = arith.addi %add3A_7, %add3A_56 : i32
      %dma_start3A_58 = arith.constant 0 : i32
      %dma_start3A_59 = arith.constant 0 : i32
      %dma_start3A_60 = tpu.memref_slice %arg7[%dma_start3A_58, %dma_start3A_59] : memref<256x1024xf32, #tpu.memory_space<vmem_shared>> -> memref<256x1024xf32, #tpu.memory_space<vmem_shared>>
      %dma_start3A_61 = arith.constant 0 : i32
      %dma_start3A_62 = tpu.memref_slice %arg2[%add3A_57, %dma_start3A_61] : memref<8192x1024xf32, #tpu.memory_space<hbm>> -> memref<256x1024xf32, #tpu.memory_space<hbm>>
      tpu.enqueue_dma source(%dma_start3A_62 : memref<256x1024xf32, #tpu.memory_space<hbm>>) target(%dma_start3A_60 : memref<256x1024xf32, #tpu.memory_space<vmem_shared>>) target_semaphore(%arg10 : memref<!tpu.dma_semaphore, #tpu.memory_space<semaphore_mem>>)
      %dma_wait3A_63 = arith.constant 0 : i32
      %dma_wait3A_64 = arith.constant 0 : i32
      %dma_wait3A_65 = tpu.memref_slice %arg9[%dma_wait3A_63, %dma_wait3A_64] : memref<256x1024xf32, #tpu.memory_space<vmem_shared>> -> memref<256x1024xf32, #tpu.memory_space<vmem_shared>>
      %dma_wait3A_66 = arith.constant 0 : i32
      %dma_wait3A_67 = tpu.memref_slice %arg2[%add3A_33, %dma_wait3A_66] : memref<8192x1024xf32, #tpu.memory_space<hbm>> -> memref<256x1024xf32, #tpu.memory_space<hbm>>
      tpu.wait_dma2 semaphore(%arg12 : memref<!tpu.dma_semaphore, #tpu.memory_space<semaphore_mem>>) src(%dma_wait3A_67 : memref<256x1024xf32, #tpu.memory_space<hbm>>) dst(%dma_wait3A_65 : memref<256x1024xf32, #tpu.memory_space<vmem_shared>>)
      %add3A_68 = arith.constant 512 : i32
      %add3A_69 = arith.addi %add3A_7, %add3A_68 : i32
      %dma_start3A_70 = arith.constant 0 : i32
      %dma_start3A_71 = tpu.memref_slice %arg3[%add3A_69, %dma_start3A_70] : memref<8192x1024xf32, #tpu.memory_space<hbm>> -> memref<256x1024xf32, #tpu.memory_space<hbm>>
      %dma_start3A_72 = arith.constant 0 : i32
      %dma_start3A_73 = arith.constant 0 : i32
      %dma_start3A_74 = tpu.memref_slice %arg9[%dma_start3A_72, %dma_start3A_73] : memref<256x1024xf32, #tpu.memory_space<vmem_shared>> -> memref<256x1024xf32, #tpu.memory_space<vmem_shared>>
      tpu.enqueue_dma source(%dma_start3A_74 : memref<256x1024xf32, #tpu.memory_space<vmem_shared>>) target(%dma_start3A_71 : memref<256x1024xf32, #tpu.memory_space<hbm>>) target_semaphore(%arg15 : memref<!tpu.dma_semaphore, #tpu.memory_space<semaphore_mem>>)
      %dma_wait3A_75 = arith.constant 0 : i32
      %dma_wait3A_76 = tpu.memref_slice %arg3[%add3A_45, %dma_wait3A_75] : memref<8192x1024xf32, #tpu.memory_space<hbm>> -> memref<256x1024xf32, #tpu.memory_space<hbm>>
      %dma_wait3A_77 = arith.constant 0 : i32
      %dma_wait3A_78 = arith.constant 0 : i32
      %dma_wait3A_79 = tpu.memref_slice %arg8[%dma_wait3A_77, %dma_wait3A_78] : memref<256x1024xf32, #tpu.memory_space<vmem_shared>> -> memref<256x1024xf32, #tpu.memory_space<vmem_shared>>
      tpu.wait_dma2 semaphore(%arg14 : memref<!tpu.dma_semaphore, #tpu.memory_space<semaphore_mem>>) src(%dma_wait3A_79 : memref<256x1024xf32, #tpu.memory_space<vmem_shared>>) dst(%dma_wait3A_76 : memref<256x1024xf32, #tpu.memory_space<hbm>>)
      %add3A_80 = arith.constant 1024 : i32
      %add3A_81 = arith.addi %add3A_7, %add3A_80 : i32
      %dma_start3A_82 = arith.constant 0 : i32
      %dma_start3A_83 = arith.constant 0 : i32
      %dma_start3A_84 = tpu.memref_slice %arg8[%dma_start3A_82, %dma_start3A_83] : memref<256x1024xf32, #tpu.memory_space<vmem_shared>> -> memref<256x1024xf32, #tpu.memory_space<vmem_shared>>
      %dma_start3A_85 = arith.constant 0 : i32
      %dma_start3A_86 = tpu.memref_slice %arg2[%add3A_81, %dma_start3A_85] : memref<8192x1024xf32, #tpu.memory_space<hbm>> -> memref<256x1024xf32, #tpu.memory_space<hbm>>
      tpu.enqueue_dma source(%dma_start3A_86 : memref<256x1024xf32, #tpu.memory_space<hbm>>) target(%dma_start3A_84 : memref<256x1024xf32, #tpu.memory_space<vmem_shared>>) target_semaphore(%arg11 : memref<!tpu.dma_semaphore, #tpu.memory_space<semaphore_mem>>)
      %dma_wait3A_87 = arith.constant 0 : i32
      %dma_wait3A_88 = arith.constant 0 : i32
      %dma_wait3A_89 = tpu.memref_slice %arg7[%dma_wait3A_87, %dma_wait3A_88] : memref<256x1024xf32, #tpu.memory_space<vmem_shared>> -> memref<256x1024xf32, #tpu.memory_space<vmem_shared>>
      %dma_wait3A_90 = arith.constant 0 : i32
      %dma_wait3A_91 = tpu.memref_slice %arg2[%add3A_57, %dma_wait3A_90] : memref<8192x1024xf32, #tpu.memory_space<hbm>> -> memref<256x1024xf32, #tpu.memory_space<hbm>>
      tpu.wait_dma2 semaphore(%arg10 : memref<!tpu.dma_semaphore, #tpu.memory_space<semaphore_mem>>) src(%dma_wait3A_91 : memref<256x1024xf32, #tpu.memory_space<hbm>>) dst(%dma_wait3A_89 : memref<256x1024xf32, #tpu.memory_space<vmem_shared>>)
      %add3A_92 = arith.constant 768 : i32
      %add3A_93 = arith.addi %add3A_7, %add3A_92 : i32
      %dma_start3A_94 = arith.constant 0 : i32
      %dma_start3A_95 = tpu.memref_slice %arg3[%add3A_93, %dma_start3A_94] : memref<8192x1024xf32, #tpu.memory_space<hbm>> -> memref<256x1024xf32, #tpu.memory_space<hbm>>
      %dma_start3A_96 = arith.constant 0 : i32
      %dma_start3A_97 = arith.constant 0 : i32
      %dma_start3A_98 = tpu.memref_slice %arg7[%dma_start3A_96, %dma_start3A_97] : memref<256x1024xf32, #tpu.memory_space<vmem_shared>> -> memref<256x1024xf32, #tpu.memory_space<vmem_shared>>
      tpu.enqueue_dma source(%dma_start3A_98 : memref<256x1024xf32, #tpu.memory_space<vmem_shared>>) target(%dma_start3A_95 : memref<256x1024xf32, #tpu.memory_space<hbm>>) target_semaphore(%arg13 : memref<!tpu.dma_semaphore, #tpu.memory_space<semaphore_mem>>)
      %dma_wait3A_99 = arith.constant 0 : i32
      %dma_wait3A_100 = tpu.memref_slice %arg3[%add3A_69, %dma_wait3A_99] : memref<8192x1024xf32, #tpu.memory_space<hbm>> -> memref<256x1024xf32, #tpu.memory_space<hbm>>
      %dma_wait3A_101 = arith.constant 0 : i32
      %dma_wait3A_102 = arith.constant 0 : i32
      %dma_wait3A_103 = tpu.memref_slice %arg9[%dma_wait3A_101, %dma_wait3A_102] : memref<256x1024xf32, #tpu.memory_space<vmem_shared>> -> memref<256x1024xf32, #tpu.memory_space<vmem_shared>>
      tpu.wait_dma2 semaphore(%arg15 : memref<!tpu.dma_semaphore, #tpu.memory_space<semaphore_mem>>) src(%dma_wait3A_103 : memref<256x1024xf32, #tpu.memory_space<vmem_shared>>) dst(%dma_wait3A_100 : memref<256x1024xf32, #tpu.memory_space<hbm>>)
      %add3A_104 = arith.constant 1280 : i32
      %add3A_105 = arith.addi %add3A_7, %add3A_104 : i32
      %dma_start3A_106 = arith.constant 0 : i32
      %dma_start3A_107 = arith.constant 0 : i32
      %dma_start3A_108 = tpu.memref_slice %arg9[%dma_start3A_106, %dma_start3A_107] : memref<256x1024xf32, #tpu.memory_space<vmem_shared>> -> memref<256x1024xf32, #tpu.memory_space<vmem_shared>>
      %dma_start3A_109 = arith.constant 0 : i32
      %dma_start3A_110 = tpu.memref_slice %arg2[%add3A_105, %dma_start3A_109] : memref<8192x1024xf32, #tpu.memory_space<hbm>> -> memref<256x1024xf32, #tpu.memory_space<hbm>>
      tpu.enqueue_dma source(%dma_start3A_110 : memref<256x1024xf32, #tpu.memory_space<hbm>>) target(%dma_start3A_108 : memref<256x1024xf32, #tpu.memory_space<vmem_shared>>) target_semaphore(%arg12 : memref<!tpu.dma_semaphore, #tpu.memory_space<semaphore_mem>>)
      %dma_wait3A_111 = arith.constant 0 : i32
      %dma_wait3A_112 = arith.constant 0 : i32
      %dma_wait3A_113 = tpu.memref_slice %arg8[%dma_wait3A_111, %dma_wait3A_112] : memref<256x1024xf32, #tpu.memory_space<vmem_shared>> -> memref<256x1024xf32, #tpu.memory_space<vmem_shared>>
      %dma_wait3A_114 = arith.constant 0 : i32
      %dma_wait3A_115 = tpu.memref_slice %arg2[%add3A_81, %dma_wait3A_114] : memref<8192x1024xf32, #tpu.memory_space<hbm>> -> memref<256x1024xf32, #tpu.memory_space<hbm>>
      tpu.wait_dma2 semaphore(%arg11 : memref<!tpu.dma_semaphore, #tpu.memory_space<semaphore_mem>>) src(%dma_wait3A_115 : memref<256x1024xf32, #tpu.memory_space<hbm>>) dst(%dma_wait3A_113 : memref<256x1024xf32, #tpu.memory_space<vmem_shared>>)
      %add3A_116 = arith.constant 1024 : i32
      %add3A_117 = arith.addi %add3A_7, %add3A_116 : i32
      %dma_start3A_118 = arith.constant 0 : i32
      %dma_start3A_119 = tpu.memref_slice %arg3[%add3A_117, %dma_start3A_118] : memref<8192x1024xf32, #tpu.memory_space<hbm>> -> memref<256x1024xf32, #tpu.memory_space<hbm>>
      %dma_start3A_120 = arith.constant 0 : i32
      %dma_start3A_121 = arith.constant 0 : i32
      %dma_start3A_122 = tpu.memref_slice %arg8[%dma_start3A_120, %dma_start3A_121] : memref<256x1024xf32, #tpu.memory_space<vmem_shared>> -> memref<256x1024xf32, #tpu.memory_space<vmem_shared>>
      tpu.enqueue_dma source(%dma_start3A_122 : memref<256x1024xf32, #tpu.memory_space<vmem_shared>>) target(%dma_start3A_119 : memref<256x1024xf32, #tpu.memory_space<hbm>>) target_semaphore(%arg14 : memref<!tpu.dma_semaphore, #tpu.memory_space<semaphore_mem>>)
      %dma_wait3A_123 = arith.constant 0 : i32
      %dma_wait3A_124 = tpu.memref_slice %arg3[%add3A_93, %dma_wait3A_123] : memref<8192x1024xf32, #tpu.memory_space<hbm>> -> memref<256x1024xf32, #tpu.memory_space<hbm>>
      %dma_wait3A_125 = arith.constant 0 : i32
      %dma_wait3A_126 = arith.constant 0 : i32
      %dma_wait3A_127 = tpu.memref_slice %arg7[%dma_wait3A_125, %dma_wait3A_126] : memref<256x1024xf32, #tpu.memory_space<vmem_shared>> -> memref<256x1024xf32, #tpu.memory_space<vmem_shared>>
      tpu.wait_dma2 semaphore(%arg13 : memref<!tpu.dma_semaphore, #tpu.memory_space<semaphore_mem>>) src(%dma_wait3A_127 : memref<256x1024xf32, #tpu.memory_space<vmem_shared>>) dst(%dma_wait3A_124 : memref<256x1024xf32, #tpu.memory_space<hbm>>)
      %add3A_128 = arith.constant 1536 : i32
      %add3A_129 = arith.addi %add3A_7, %add3A_128 : i32
      %dma_start3A_130 = arith.constant 0 : i32
      %dma_start3A_131 = arith.constant 0 : i32
      %dma_start3A_132 = tpu.memref_slice %arg7[%dma_start3A_130, %dma_start3A_131] : memref<256x1024xf32, #tpu.memory_space<vmem_shared>> -> memref<256x1024xf32, #tpu.memory_space<vmem_shared>>
      %dma_start3A_133 = arith.constant 0 : i32
      %dma_start3A_134 = tpu.memref_slice %arg2[%add3A_129, %dma_start3A_133] : memref<8192x1024xf32, #tpu.memory_space<hbm>> -> memref<256x1024xf32, #tpu.memory_space<hbm>>
      tpu.enqueue_dma source(%dma_start3A_134 : memref<256x1024xf32, #tpu.memory_space<hbm>>) target(%dma_start3A_132 : memref<256x1024xf32, #tpu.memory_space<vmem_shared>>) target_semaphore(%arg10 : memref<!tpu.dma_semaphore, #tpu.memory_space<semaphore_mem>>)
      %dma_wait3A_135 = arith.constant 0 : i32
      %dma_wait3A_136 = arith.constant 0 : i32
      %dma_wait3A_137 = tpu.memref_slice %arg9[%dma_wait3A_135, %dma_wait3A_136] : memref<256x1024xf32, #tpu.memory_space<vmem_shared>> -> memref<256x1024xf32, #tpu.memory_space<vmem_shared>>
      %dma_wait3A_138 = arith.constant 0 : i32
      %dma_wait3A_139 = tpu.memref_slice %arg2[%add3A_105, %dma_wait3A_138] : memref<8192x1024xf32, #tpu.memory_space<hbm>> -> memref<256x1024xf32, #tpu.memory_space<hbm>>
      tpu.wait_dma2 semaphore(%arg12 : memref<!tpu.dma_semaphore, #tpu.memory_space<semaphore_mem>>) src(%dma_wait3A_139 : memref<256x1024xf32, #tpu.memory_space<hbm>>) dst(%dma_wait3A_137 : memref<256x1024xf32, #tpu.memory_space<vmem_shared>>)
      %add3A_140 = arith.constant 1280 : i32
      %add3A_141 = arith.addi %add3A_7, %add3A_140 : i32
      %dma_start3A_142 = arith.constant 0 : i32
      %dma_start3A_143 = tpu.memref_slice %arg3[%add3A_141, %dma_start3A_142] : memref<8192x1024xf32, #tpu.memory_space<hbm>> -> memref<256x1024xf32, #tpu.memory_space<hbm>>
      %dma_start3A_144 = arith.constant 0 : i32
      %dma_start3A_145 = arith.constant 0 : i32
      %dma_start3A_146 = tpu.memref_slice %arg9[%dma_start3A_144, %dma_start3A_145] : memref<256x1024xf32, #tpu.memory_space<vmem_shared>> -> memref<256x1024xf32, #tpu.memory_space<vmem_shared>>
      tpu.enqueue_dma source(%dma_start3A_146 : memref<256x1024xf32, #tpu.memory_space<vmem_shared>>) target(%dma_start3A_143 : memref<256x1024xf32, #tpu.memory_space<hbm>>) target_semaphore(%arg15 : memref<!tpu.dma_semaphore, #tpu.memory_space<semaphore_mem>>)
      %dma_wait3A_147 = arith.constant 0 : i32
      %dma_wait3A_148 = tpu.memref_slice %arg3[%add3A_117, %dma_wait3A_147] : memref<8192x1024xf32, #tpu.memory_space<hbm>> -> memref<256x1024xf32, #tpu.memory_space<hbm>>
      %dma_wait3A_149 = arith.constant 0 : i32
      %dma_wait3A_150 = arith.constant 0 : i32
      %dma_wait3A_151 = tpu.memref_slice %arg8[%dma_wait3A_149, %dma_wait3A_150] : memref<256x1024xf32, #tpu.memory_space<vmem_shared>> -> memref<256x1024xf32, #tpu.memory_space<vmem_shared>>
      tpu.wait_dma2 semaphore(%arg14 : memref<!tpu.dma_semaphore, #tpu.memory_space<semaphore_mem>>) src(%dma_wait3A_151 : memref<256x1024xf32, #tpu.memory_space<vmem_shared>>) dst(%dma_wait3A_148 : memref<256x1024xf32, #tpu.memory_space<hbm>>)
      %add3A_152 = arith.constant 1792 : i32
      %add3A_153 = arith.addi %add3A_7, %add3A_152 : i32
      %dma_start3A_154 = arith.constant 0 : i32
      %dma_start3A_155 = arith.constant 0 : i32
      %dma_start3A_156 = tpu.memref_slice %arg8[%dma_start3A_154, %dma_start3A_155] : memref<256x1024xf32, #tpu.memory_space<vmem_shared>> -> memref<256x1024xf32, #tpu.memory_space<vmem_shared>>
      %dma_start3A_157 = arith.constant 0 : i32
      %dma_start3A_158 = tpu.memref_slice %arg2[%add3A_153, %dma_start3A_157] : memref<8192x1024xf32, #tpu.memory_space<hbm>> -> memref<256x1024xf32, #tpu.memory_space<hbm>>
      tpu.enqueue_dma source(%dma_start3A_158 : memref<256x1024xf32, #tpu.memory_space<hbm>>) target(%dma_start3A_156 : memref<256x1024xf32, #tpu.memory_space<vmem_shared>>) target_semaphore(%arg11 : memref<!tpu.dma_semaphore, #tpu.memory_space<semaphore_mem>>)
      %dma_wait3A_159 = arith.constant 0 : i32
      %dma_wait3A_160 = arith.constant 0 : i32
      %dma_wait3A_161 = tpu.memref_slice %arg7[%dma_wait3A_159, %dma_wait3A_160] : memref<256x1024xf32, #tpu.memory_space<vmem_shared>> -> memref<256x1024xf32, #tpu.memory_space<vmem_shared>>
      %dma_wait3A_162 = arith.constant 0 : i32
      %dma_wait3A_163 = tpu.memref_slice %arg2[%add3A_129, %dma_wait3A_162] : memref<8192x1024xf32, #tpu.memory_space<hbm>> -> memref<256x1024xf32, #tpu.memory_space<hbm>>
      tpu.wait_dma2 semaphore(%arg10 : memref<!tpu.dma_semaphore, #tpu.memory_space<semaphore_mem>>) src(%dma_wait3A_163 : memref<256x1024xf32, #tpu.memory_space<hbm>>) dst(%dma_wait3A_161 : memref<256x1024xf32, #tpu.memory_space<vmem_shared>>)
      %add3A_164 = arith.constant 1536 : i32
      %add3A_165 = arith.addi %add3A_7, %add3A_164 : i32
      %dma_start3A_166 = arith.constant 0 : i32
      %dma_start3A_167 = tpu.memref_slice %arg3[%add3A_165, %dma_start3A_166] : memref<8192x1024xf32, #tpu.memory_space<hbm>> -> memref<256x1024xf32, #tpu.memory_space<hbm>>
      %dma_start3A_168 = arith.constant 0 : i32
      %dma_start3A_169 = arith.constant 0 : i32
      %dma_start3A_170 = tpu.memref_slice %arg7[%dma_start3A_168, %dma_start3A_169] : memref<256x1024xf32, #tpu.memory_space<vmem_shared>> -> memref<256x1024xf32, #tpu.memory_space<vmem_shared>>
      tpu.enqueue_dma source(%dma_start3A_170 : memref<256x1024xf32, #tpu.memory_space<vmem_shared>>) target(%dma_start3A_167 : memref<256x1024xf32, #tpu.memory_space<hbm>>) target_semaphore(%arg13 : memref<!tpu.dma_semaphore, #tpu.memory_space<semaphore_mem>>)
      %dma_wait3A_171 = arith.constant 0 : i32
      %dma_wait3A_172 = tpu.memref_slice %arg3[%add3A_141, %dma_wait3A_171] : memref<8192x1024xf32, #tpu.memory_space<hbm>> -> memref<256x1024xf32, #tpu.memory_space<hbm>>
      %dma_wait3A_173 = arith.constant 0 : i32
      %dma_wait3A_174 = arith.constant 0 : i32
      %dma_wait3A_175 = tpu.memref_slice %arg9[%dma_wait3A_173, %dma_wait3A_174] : memref<256x1024xf32, #tpu.memory_space<vmem_shared>> -> memref<256x1024xf32, #tpu.memory_space<vmem_shared>>
      tpu.wait_dma2 semaphore(%arg15 : memref<!tpu.dma_semaphore, #tpu.memory_space<semaphore_mem>>) src(%dma_wait3A_175 : memref<256x1024xf32, #tpu.memory_space<vmem_shared>>) dst(%dma_wait3A_172 : memref<256x1024xf32, #tpu.memory_space<hbm>>)
      %add3A_176 = arith.constant 2048 : i32
      %add3A_177 = arith.addi %add3A_7, %add3A_176 : i32
      %dma_start3A_178 = arith.constant 0 : i32
      %dma_start3A_179 = arith.constant 0 : i32
      %dma_start3A_180 = tpu.memref_slice %arg9[%dma_start3A_178, %dma_start3A_179] : memref<256x1024xf32, #tpu.memory_space<vmem_shared>> -> memref<8x1024xf32, #tpu.memory_space<vmem_shared>>
      %dma_start3A_181 = arith.constant 0 : i32
      %dma_start3A_182 = tpu.memref_slice %arg2[%add3A_177, %dma_start3A_181] : memref<8192x1024xf32, #tpu.memory_space<hbm>> -> memref<8x1024xf32, #tpu.memory_space<hbm>>
      tpu.enqueue_dma source(%dma_start3A_182 : memref<8x1024xf32, #tpu.memory_space<hbm>>) target(%dma_start3A_180 : memref<8x1024xf32, #tpu.memory_space<vmem_shared>>) target_semaphore(%arg12 : memref<!tpu.dma_semaphore, #tpu.memory_space<semaphore_mem>>)
      %dma_wait3A_183 = arith.constant 0 : i32
      %dma_wait3A_184 = arith.constant 0 : i32
      %dma_wait3A_185 = tpu.memref_slice %arg8[%dma_wait3A_183, %dma_wait3A_184] : memref<256x1024xf32, #tpu.memory_space<vmem_shared>> -> memref<256x1024xf32, #tpu.memory_space<vmem_shared>>
      %dma_wait3A_186 = arith.constant 0 : i32
      %dma_wait3A_187 = tpu.memref_slice %arg2[%add3A_153, %dma_wait3A_186] : memref<8192x1024xf32, #tpu.memory_space<hbm>> -> memref<256x1024xf32, #tpu.memory_space<hbm>>
      tpu.wait_dma2 semaphore(%arg11 : memref<!tpu.dma_semaphore, #tpu.memory_space<semaphore_mem>>) src(%dma_wait3A_187 : memref<256x1024xf32, #tpu.memory_space<hbm>>) dst(%dma_wait3A_185 : memref<256x1024xf32, #tpu.memory_space<vmem_shared>>)
      %add3A_188 = arith.constant 1792 : i32
      %add3A_189 = arith.addi %add3A_7, %add3A_188 : i32
      %dma_start3A_190 = arith.constant 0 : i32
      %dma_start3A_191 = tpu.memref_slice %arg3[%add3A_189, %dma_start3A_190] : memref<8192x1024xf32, #tpu.memory_space<hbm>> -> memref<256x1024xf32, #tpu.memory_space<hbm>>
      %dma_start3A_192 = arith.constant 0 : i32
      %dma_start3A_193 = arith.constant 0 : i32
      %dma_start3A_194 = tpu.memref_slice %arg8[%dma_start3A_192, %dma_start3A_193] : memref<256x1024xf32, #tpu.memory_space<vmem_shared>> -> memref<256x1024xf32, #tpu.memory_space<vmem_shared>>
      tpu.enqueue_dma source(%dma_start3A_194 : memref<256x1024xf32, #tpu.memory_space<vmem_shared>>) target(%dma_start3A_191 : memref<256x1024xf32, #tpu.memory_space<hbm>>) target_semaphore(%arg14 : memref<!tpu.dma_semaphore, #tpu.memory_space<semaphore_mem>>)
      %dma_wait3A_195 = arith.constant 0 : i32
      %dma_wait3A_196 = arith.constant 0 : i32
      %dma_wait3A_197 = tpu.memref_slice %arg9[%dma_wait3A_195, %dma_wait3A_196] : memref<256x1024xf32, #tpu.memory_space<vmem_shared>> -> memref<8x1024xf32, #tpu.memory_space<vmem_shared>>
      %dma_wait3A_198 = arith.constant 0 : i32
      %dma_wait3A_199 = tpu.memref_slice %arg2[%add3A_177, %dma_wait3A_198] : memref<8192x1024xf32, #tpu.memory_space<hbm>> -> memref<8x1024xf32, #tpu.memory_space<hbm>>
      tpu.wait_dma2 semaphore(%arg12 : memref<!tpu.dma_semaphore, #tpu.memory_space<semaphore_mem>>) src(%dma_wait3A_199 : memref<8x1024xf32, #tpu.memory_space<hbm>>) dst(%dma_wait3A_197 : memref<8x1024xf32, #tpu.memory_space<vmem_shared>>)
      %add3A_200 = arith.constant 2048 : i32
      %add3A_201 = arith.addi %add3A_7, %add3A_200 : i32
      %dma_start3A_202 = arith.constant 0 : i32
      %dma_start3A_203 = tpu.memref_slice %arg3[%add3A_201, %dma_start3A_202] : memref<8192x1024xf32, #tpu.memory_space<hbm>> -> memref<8x1024xf32, #tpu.memory_space<hbm>>
      %dma_start3A_204 = arith.constant 0 : i32
      %dma_start3A_205 = arith.constant 0 : i32
      %dma_start3A_206 = tpu.memref_slice %arg9[%dma_start3A_204, %dma_start3A_205] : memref<256x1024xf32, #tpu.memory_space<vmem_shared>> -> memref<8x1024xf32, #tpu.memory_space<vmem_shared>>
      tpu.enqueue_dma source(%dma_start3A_206 : memref<8x1024xf32, #tpu.memory_space<vmem_shared>>) target(%dma_start3A_203 : memref<8x1024xf32, #tpu.memory_space<hbm>>) target_semaphore(%arg15 : memref<!tpu.dma_semaphore, #tpu.memory_space<semaphore_mem>>)
      %dma_wait3A_207 = arith.constant 0 : i32
      %dma_wait3A_208 = tpu.memref_slice %arg3[%add3A_165, %dma_wait3A_207] : memref<8192x1024xf32, #tpu.memory_space<hbm>> -> memref<256x1024xf32, #tpu.memory_space<hbm>>
      %dma_wait3A_209 = arith.constant 0 : i32
      %dma_wait3A_210 = arith.constant 0 : i32
      %dma_wait3A_211 = tpu.memref_slice %arg7[%dma_wait3A_209, %dma_wait3A_210] : memref<256x1024xf32, #tpu.memory_space<vmem_shared>> -> memref<256x1024xf32, #tpu.memory_space<vmem_shared>>
      tpu.wait_dma2 semaphore(%arg13 : memref<!tpu.dma_semaphore, #tpu.memory_space<semaphore_mem>>) src(%dma_wait3A_211 : memref<256x1024xf32, #tpu.memory_space<vmem_shared>>) dst(%dma_wait3A_208 : memref<256x1024xf32, #tpu.memory_space<hbm>>)
      %dma_wait3A_212 = arith.constant 0 : i32
      %dma_wait3A_213 = tpu.memref_slice %arg3[%add3A_189, %dma_wait3A_212] : memref<8192x1024xf32, #tpu.memory_space<hbm>> -> memref<256x1024xf32, #tpu.memory_space<hbm>>
      %dma_wait3A_214 = arith.constant 0 : i32
      %dma_wait3A_215 = arith.constant 0 : i32
      %dma_wait3A_216 = tpu.memref_slice %arg8[%dma_wait3A_214, %dma_wait3A_215] : memref<256x1024xf32, #tpu.memory_space<vmem_shared>> -> memref<256x1024xf32, #tpu.memory_space<vmem_shared>>
      tpu.wait_dma2 semaphore(%arg14 : memref<!tpu.dma_semaphore, #tpu.memory_space<semaphore_mem>>) src(%dma_wait3A_216 : memref<256x1024xf32, #tpu.memory_space<vmem_shared>>) dst(%dma_wait3A_213 : memref<256x1024xf32, #tpu.memory_space<hbm>>)
      %dma_wait3A_217 = arith.constant 0 : i32
      %dma_wait3A_218 = tpu.memref_slice %arg3[%add3A_201, %dma_wait3A_217] : memref<8192x1024xf32, #tpu.memory_space<hbm>> -> memref<8x1024xf32, #tpu.memory_space<hbm>>
      %dma_wait3A_219 = arith.constant 0 : i32
      %dma_wait3A_220 = arith.constant 0 : i32
      %dma_wait3A_221 = tpu.memref_slice %arg9[%dma_wait3A_219, %dma_wait3A_220] : memref<256x1024xf32, #tpu.memory_space<vmem_shared>> -> memref<8x1024xf32, #tpu.memory_space<vmem_shared>>
      tpu.wait_dma2 semaphore(%arg15 : memref<!tpu.dma_semaphore, #tpu.memory_space<semaphore_mem>>) src(%dma_wait3A_221 : memref<8x1024xf32, #tpu.memory_space<vmem_shared>>) dst(%dma_wait3A_218 : memref<8x1024xf32, #tpu.memory_space<hbm>>)
    } else {
    }
    return
  }
}

</mosaic_0001>

<sc_bundles>
// kernel: _lookup.3.cloned.1.call-start
scs
__scs_entry_jumppad:
0x0: {  	(pc) =	sbr.rel $0x88, $3  }
0x1: {  	(tag) =	ssettag $0x0;
	lr =	simm.s32 $0x1  }
0x2: {  	[smem:$0x3FA0] =	sst lr;
	_ =	strace $0xD0000000  }
0x3: {  	_ = 	snop  }
0x4: {  	_ = 	snop  }
0x5: {  	_ = 	snop  }
0x6: {  	_ = 	snop  }
0x7: {  	_ = 	snop  }
__scs_overlays_trampoline_lowered:
0x8: {  	[smem:$0x3FAF] =	sst s0  }
0x9: {  	[smem:$0x3FB0] =	sst s1  }
0xa: {  	[smem:$0x3FB1] =	sst s2  }
0xb: {  	[smem:$0x3FB2] =	sst s3  }
0xc: {  	[smem:$0x3FB3] =	sst s4  }
0xd: {  	[smem:$0x3FB4] =	sst s5  }
0xe: {  	[smem:$0x3FB5] =	sst s6  }
0xf: {  	[smem:$0x3FB6] =	sst s7  }
0x10: {  	[smem:$0x3FB7] =	sst s8  }
0x11: {  	[smem:$0x3FB8] =	sst s9;
	s0 =	simm.s32 @!p0 $0x0  }
0x12: {  	s1 =	sld [smem:$0x3F9E];
	s0 =	simm.s32 @p0 $0x1  }
0x13: {  	[smem:$0x3FB9] =	sst s0;
	s0 =	simm.s32 @!p1 $0x0  }
0x14: {  	s2 =	sld [smem:$0x3F9D];
	s0 =	simm.s32 @p1 $0x1  }
0x15: {  	[smem:$0x3FBA] =	sst s0;
	s0 =	simm.s32 @!p2 $0x0  }
0x16: {  	s3 =	sld [smem:$0x3FDB];
	s0 =	simm.s32 @p2 $0x1  }
0x17: {  	s4 =	simm.s32 $0x1BF5;
	[smem:$0x3FBC] =	sst s0  }
0x18: {  	s0 =	sld [smem:$0x3F9F];
	_ =	swait.ge [sflag:s4], $0x0  }
0x19: {  	s7 =	sld [smem:$0x3FA0]  }
0x1a: {  	s8 =	sadd.s32 $0xFFFFE003, lr  }
0x1b: {  	s9 =	sadd.s32 $0xFFFFFEF7, lr;
	s5 =	simm.s32 $0xFFFFFFFF;
	p2 =	slt.u32 s8, $0xFFFFF086  }
0x1c: {  	p1 =	slt.u32 s9, $0xF7A;
	s5 =	simm.s32 @!p2 $0x0  }
0x1d: {  	s5 =	simm.s32 @p1 $0x1;
	p0 =	seq.s32 s7, s2  }
0x1e: {  	s7 =	smul.u32 @!p0 $0xF7A, s2;
	p2 =	seq.s32 @!p0 s5, $0x0  }
0x1f: {  	s9 =	smul.u32 $0xF7A, s1;
	s8 =	simm.s32 @!p0 $0x1BF5;
	p2 =	por !p2, p0  }
0x20: {  	[sflag:s8] =	ssyncset.s32 @!p0 $0xFFFFF086;
	s6 =	sadd.s32 @!p0 s3, s7;
	s7 =	simm.s32 @!p0 $0x108  }
0x21: {  	s3 =	sadd.s32 s3, s9;
	s6 =	sadd.s32 @!p0 $0x88, s6;
	s7 =	simm.s32 @p2 $0x1082  }
0x22: {  	[simem:s7], [sflag:s8] =	dma.local @!p0 [hbm:s6], $0xF7A  }
0x23: {  	s9 =	sor.u32 $0xD0000000, s2;
	s6 =	simm.s32 $0x108;
	_ =	swait.ge @!p0 [sflag:s8], $0x0  }
0x24: {  	s3 =	sadd.s32 $0x88, s3;
	s6 =	simm.s32 @!p1 $0x1082;
	[sflag:s4] =	ssyncset.s32 $0xFFFFF086  }
0x25: {  	[simem:s6], [sflag:s4] =	dma.local [hbm:s3], $0xF7A  }
0x26: {  	[smem:$0x3FA0] =	sst s1;
	(tag) =	ssettag s2;
	_ =	strace s9  }
0x27: {  	s1 =	sld [smem:$0x3FB0]  }
0x28: {  	s2 =	sld [smem:$0x3FB1]  }
0x29: {  	s4 =	sld [smem:$0x3FB3]  }
0x2a: {  	p0 =	seq.s32 s5, $0x0;
	s5 =	sld [smem:$0x3FB4]  }
0x2b: {  	s6 =	sld [smem:$0x3FB5]  }
0x2c: {  	s7 =	sld [smem:$0x3FB6]  }
0x2d: {  	s3 =	simm.s32 $0x108;
	s8 =	sld [smem:$0x3FB7]  }
0x2e: {  	s3 =	simm.s32 @!p0 $0x1082;
	s9 =	sld [smem:$0x3FB8]  }
0x2f: {  	lr =	sadd.s32 s0, s3;
	s0 =	sld [smem:$0x3FAF]  }
0x30: {  	s3 =	sld [smem:$0x3FB2]  }
0x31: {  	[smem:$0x3FBB] =	sst s10  }
0x32: {  	s10 =	sld [smem:$0x3FB9];
	_ =	sdelay $0x3  }
0x33: {  	p0 =	seq.s32 s10, $0x1;
	s10 =	sld [smem:$0x3FBB];
	_ =	sdelay $0x3  }
0x34: {  	[smem:$0x3FBB] =	sst s10  }
0x35: {  	s10 =	sld [smem:$0x3FBA];
	_ =	sdelay $0x3  }
0x36: {  	p1 =	seq.s32 s10, $0x1;
	s10 =	sld [smem:$0x3FBB];
	_ =	sdelay $0x3  }
0x37: {  	[smem:$0x3FBB] =	sst s10  }
0x38: {  	s10 =	sld [smem:$0x3FBC]  }
0x39: {  	_ = 	snop;
	(pc) =	sbr.ind lr, $3  }
0x3a: {  	_ = 	snop  }
0x3b: {  	_ = 	snop  }
0x3c: {  	p2 =	seq.s32 s10, $0x1;
	s10 =	sld [smem:$0x3FBB]  }
0x3d: {  	_ =	shalt  }
0x3e: {  	_ =	shalt  }
0x3f: {  	_ =	shalt  }
0x40: {  	_ =	shalt  }
0x41: {  	_ =	shalt  }
0x42: {  	_ =	shalt  }
0x43: {  	_ =	shalt  }
0x44: {  	_ =	shalt  }
0x45: {  	_ =	shalt  }
0x46: {  	_ =	shalt  }
0x47: {  	_ =	shalt  }
0x48: {  	_ =	shalt  }
0x49: {  	_ =	shalt  }
0x4a: {  	_ =	shalt  }
0x4b: {  	_ =	shalt  }
0x4c: {  	_ =	shalt  }
0x4d: {  	_ =	shalt  }
0x4e: {  	_ =	shalt  }
0x4f: {  	_ =	shalt  }
0x50: {  	_ =	shalt  }
0x51: {  	_ =	shalt  }
0x52: {  	_ =	shalt  }
0x53: {  	_ =	shalt  }
0x54: {  	_ =	shalt  }
0x55: {  	_ =	shalt  }
0x56: {  	_ =	shalt  }
0x57: {  	_ =	shalt  }
0x58: {  	_ =	shalt  }
0x59: {  	_ =	shalt  }
0x5a: {  	_ =	shalt  }
0x5b: {  	_ =	shalt  }
0x5c: {  	_ =	shalt  }
0x5d: {  	_ =	shalt  }
0x5e: {  	_ =	shalt  }
0x5f: {  	_ =	shalt  }
0x60: {  	_ =	shalt  }
0x61: {  	_ =	shalt  }
0x62: {  	_ =	shalt  }
0x63: {  	_ =	shalt  }
0x64: {  	_ =	shalt  }
0x65: {  	_ =	shalt  }
0x66: {  	_ =	shalt  }
0x67: {  	_ =	shalt  }
0x68: {  	_ =	shalt  }
0x69: {  	_ =	shalt  }
0x6a: {  	_ =	shalt  }
0x6b: {  	_ =	shalt  }
0x6c: {  	_ =	shalt  }
0x6d: {  	_ =	shalt  }
0x6e: {  	_ =	shalt  }
0x6f: {  	_ =	shalt  }
0x70: {  	_ =	shalt  }
0x71: {  	_ =	shalt  }
0x72: {  	_ =	shalt  }
0x73: {  	_ =	shalt  }
0x74: {  	_ =	shalt  }
0x75: {  	_ =	shalt  }
0x76: {  	_ =	shalt  }
0x77: {  	_ =	shalt  }
0x78: {  	_ =	shalt  }
0x79: {  	_ =	shalt  }
0x7a: {  	_ =	shalt  }
0x7b: {  	_ =	shalt  }
0x7c: {  	_ =	shalt  }
0x7d: {  	_ =	shalt  }
0x7e: {  	_ =	shalt  }
0x7f: {  	_ =	shalt  }
0x80: {  	_ =	shalt  }
0x81: {  	_ =	shalt  }
0x82: {  	_ =	shalt  }
0x83: {  	_ =	shalt  }
0x84: {  	_ =	shalt  }
0x85: {  	_ =	shalt  }
0x86: {  	_ =	shalt  }
0x87: {  	_ =	shalt  }
.Lfunc_end0:
.L_simem_size_0:
called_computation_lowered:
.L_overlay_start_0:
0x88: {  	s2 =	sld [smem:$0x3FD9]  }
0x89: {  	s3 =	sld [smem:$0x3FFE];
	_ =	sdelay $0x1  }
0x8a: {  	s1 =	srdreg.scid  }
0x8b: {  	s0 =	sand.u32 $0x1, s1  }
0x8c: {  	s18 =	sshll.u32 s0, $0xA;
	s2 =	sadd.s32 s3, s2  }
0x8d: {  	s2 =	sadd.s32 s2, s18  }
0x8e: {  	[smem:$0x3FC7] =	sst s2  }
0x8f: {  	_ = 	snop  }
0x90: {  	s2 =	sld [smem:$0x3FC9]  }
0x91: {  	s19 =	sld [smem:$0x3FD0];
	(tm) =	ssettm $0x1  }
0x92: {  	s4 =	sld [smem:$0x3FFB];
	_ =	sdelay $0x3  }
0x93: {  	_ =	strace s4  }
0x94: {  	s4 =	sld [smem:$0x3FFC];
	_ =	sdelay $0x3  }
0x95: {  	_ =	strace s4  }
0x96: {  	s4 =	sld [smem:$0x3FFD];
	_ =	sdelay $0x3  }
0x97: {  	_ =	strace s4  }
0x98: {  	_ =	strace $0x8FFFFFFF  }
0x99: {  	s20 =	sld [smem:$0x3FDB];
	_ =	sdelay $0x1  }
0x9a: {  	s5 =	simm.s32 $_scs_section_size  }
0x9b: {  	s6 =	simm.s32 $_size__tile_overlayer_lowered;
	s7 =	simm.s32 $_tile_overlayer_lowered  }
0x9c: {  	s23 =	simm.s32 $0x1BFF;
	s22 =	sshll.u32 s7, $0x1;
	s4 =	sadd.s32 s5, s20  }
0x9d: {  	s8 =	simm.s32 $0x0;
	s21 =	sshll.u32 s6, $0x1;
	s6 =	sadd.s32 s22, s4  }
0x9e: {  	[timem:s8], [sflag:s23] =	dma.local [hbm:s6], s21  }
0x9f: {  	_ =	swait.ge [sflag:s23], s21  }
0xa0: {  	s5 =	ssub.s32 $0x0, s21;
	[sflag:s23] =	ssyncset.done $0x0  }
0xa1: {  	[sflag:s23] =	ssyncadd.s32 s5;
	_ =	sdelay $0x1  }
0xa2: {  	s24 =	simm.s32 $0x1B8B  }
0xa3: {  	_ =	swait.ge [sflag:s24], $0x1  }
0xa4: {  	[sflag:s24] =	ssyncset.done $0x0  }
0xa5: {  	s25 =	simm.s32 $0x1B8E;
	[sflag:s24] =	ssyncadd.s32 $0xFFFFFFFF  }
0xa6: {  	s26 =	simm.s32 $execute0_lowered;
	[smem:$0x3FD2] =	sst s25  }
0xa7: {  	s5 =	sshll.u32 s26, $0x1;
	_ =	strace $0x80000046;
	[dreg:$0x1] =	wrdreg $0xFFFFFFFF  }
0xa8: {  	s28 =	simm.s32 $_size_execute0_lowered;
	s4 =	sadd.s32 s4, s5;
	[dreg:$0x0] =	wrdreg $0x0  }
0xa9: {  	s5 =	sshll.u32 s28, $0x1;
	[dreg:$0x2] =	wrdreg s4  }
0xaa: {  	[dreg:$0x3] =	wrdreg s5  }
0xab: {  	[dreg:$0x4] =	wrdreg $0xC0  }
0xac: {  	_ =	task [dreg:s8], $0x5FFFF  }
0xad: {  	[dreg:$0x1] =	wrdreg $0xFFFFFFFF  }
0xae: {  	[dreg:$0x0] =	wrdreg $0x60  }
0xaf: {  	[dreg:$0x2] =	wrdreg s2  }
0xb0: {  	[dreg:$0x3] =	wrdreg s19  }
0xb1: {  	[dreg:$0x4] =	wrdreg $0x120000  }
0xb2: {  	[dreg:$0x5] =	wrdreg $0x160000  }
0xb3: {  	[dreg:$0x6] =	wrdreg $0x1A0000  }
0xb4: {  	[dreg:$0x7] =	wrdreg $0x9  }
0xb5: {  	_ =	task.clear_ibuf [dreg:s8], $0x8FFFF;
	_ =	strace $0x90000046  }
0xb6: {  	s29 =	simm.s32 $0x9;
	_ =	strace $0x80000048  }
0xb7: {  	_ =	swait.ge [sflag:s29], $0x1  }
0xb8: {  	[sflag:s29] =	ssyncadd.s32 $0xFFFFFFFF  }
0xb9: {  	_ =	strace $0x90000048  }
0xba: {  	_ =	sfence  }
0xbb: {  	s30 =	sld [smem:$0x0];
	_ =	sdelay $0x2  }
0xbc: {  	s31 =	sshll.u32 s1, $0xD;
	s1 =	sshrl.u32 s1, $0x2  }
0xbd: {  	s3 =	sand.u32 $0x4000, s31;
	s1 =	sadd.s32 s1, s30  }
0xbe: {  	s0 =	sor.u32 s3, s0;
	s1 =	sshll.u32 s1, $0x11  }
0xbf: {  	s0 =	sor.u32 s1, s0  }
0xc0: {  	s0 =	sadd.s32 $0x8F2B, s0  }
0xc1: {  	[sflag:s0] =	ssyncadd.remote.s32 $0x1  }
0xc2: {  	_ =	sfence.sel $0xFFFF  }
0xc3: {  	[dreg:$0x0] =	wrdreg $0xFFFFFFFF;
	(pc) =	sbr.abs _section_cstart, $3  }
0xc4: {  	[dreg:$0x1] =	wrdreg $0xFFFFFFFF  }
0xc5: {  	_ =	task.clear_ibuf [dreg:s8], $0x2FFFF;
	_ =	strace $0x9FFFFFFF  }
0xc6: {  	(tm) =	ssettm $0x7FFFFFFF  }
0xc7: {  	_ =	shalt  }
tec
execute0_lowered:
.L_overlay_start_1:
0x0: {  	(tag) =	ssettag $0x1  }
0x1: {  	s0 =	srdreg.scid  }
0x2: {  	s21 =	stileid.u32;
	s14 =	rddreg [dreg:$0x0]  }
0x3: {  	s15 =	rddreg [dreg:$0x1];
	s28 =	simm.s32 $0x1C06;
	s30 =	simm.s32 $0x5  }
0x4: {  	s31 =	simm.s32 $0x6;
	s29 =	simm.s32 $0x6000;
	s1 =	sshll.u32 s21, $0x1  }
0x5: {  	s2 =	sor.u32 $0xFFFFFFFE, s0;
	s0 =	sand.u32 $0x1, s0;
	p0 =	seq.s32 s21, $0x0  }
0x6: {  	s2 =	sadd.s32 s2, s1;
	s4 =	ssub.s32 $0x2, s0;
	s0 =	smul.u32 $0x202000, s0  }
0x7: {  	s21 =	simm.s32 $0x1C04;
	s1 =	simm.s32 $0x0;
	s3 =	smul.u32 $0x22000, s2  }
0x8: {  	s5 =	sshrl.u32 s4, $0x1;
	s6 =	smul.u32 $0x4400, s2;
	[smem:$0x7FF] =	sst s1  }
0x9: {  	s16 =	ssub.s32 s4, s5;
	s0 =	sshrl.u32 s0, $0x3;
	s11 =	sshrl.u32 s3, $0x3  }
0xa: {  	s2 =	sadd.s32 s14, s6;
	s4 =	sadd.s32 s15, s6;
	s17 =	sadd.s32 $0x7F800, s0  }
0xb: {  	s26 =	sadd.s32 $0x87800, s0;
	s22 =	sadd.s32 $0x8F800, s0;
	s25 =	sadd.s32 $0x97800, s0  }
0xc: {  	s7 =	sadd.s32 $0xC00, s11;
	[dreg:$0x7] =	wrdreg s2;
	s18 =	sadd.s32 s14, s17  }
0xd: {  	s8 =	sadd.s32 $0x1800, s11;
	s19 =	sadd.s32 s14, s26;
	[dreg:$0x6] =	wrdreg s18  }
0xe: {  	s10 =	sadd.s32 $0x2400, s11;
	s20 =	sadd.s32 s15, s17;
	[dreg:$0x8] =	wrdreg s19  }
0xf: {  	s12 =	sadd.s32 $0x3000, s11;
	s23 =	sadd.s32 s14, s22;
	[dreg:$0x9] =	wrdreg s20  }
0x10: {  	s13 =	sadd.s32 $0x3C00, s11;
	s24 =	sadd.s32 s15, s26;
	[dreg:$0xa] =	wrdreg s23  }
0x11: {  	s26 =	sadd.s32 s14, s25;
	s17 =	sadd.s32 s15, s22;
	[dreg:$0xb] =	wrdreg s24  }
0x12: {  	s3 =	sadd.s32 s14, s7;
	s5 =	sadd.s32 s14, s8;
	[dreg:$0xc] =	wrdreg s26  }
0x13: {  	s6 =	sadd.s32 s15, s7;
	[dreg:$0xd] =	wrdreg s17;
	s19 =	sadd.s32 $0x9F800, s0  }
0x14: {  	s20 =	sadd.s32 s15, s25;
	s23 =	sadd.s32 $0xA7800, s0;
	s18 =	rddreg [dreg:$0x2]  }
0x15: {  	[dreg:$0xe] =	wrdreg s20;
	s22 =	sadd.s32 s14, s19;
	s24 =	sadd.s32 s15, s19  }
0x16: {  	s25 =	sadd.s32 s14, s23;
	s19 =	sadd.s32 s15, s23;
	s23 =	rddreg [dreg:$0x3]  }
0x17: {  	s7 =	sadd.s32 s14, s10;
	s8 =	sadd.s32 s15, s8;
	[dreg:$0xf] =	wrdreg s22  }
0x18: {  	s9 =	sadd.s32 s14, s12;
	s10 =	sadd.s32 s15, s10;
	[dreg:$0x10] =	wrdreg s24  }
0x19: {  	s11 =	sadd.s32 s14, s13;
	s26 =	sadd.s32 $0xAF800, s0;
	[dreg:$0x11] =	wrdreg s25  }
0x1a: {  	s12 =	sadd.s32 s15, s12;
	s20 =	sadd.s32 s14, s26;
	[dreg:$0x12] =	wrdreg s19  }
0x1b: {  	s13 =	sadd.s32 s15, s13;
	[dreg:$0x13] =	wrdreg s20;
	s22 =	sadd.s32 s15, s26  }
0x1c: {  	s19 =	sadd.s32 $0xB7800, s0;
	s0 =	sadd.s32 $0xBF800, s0;
	s20 =	rddreg [dreg:$0x4]  }
0x1d: {  	[dreg:$0x14] =	wrdreg s22;
	s24 =	sadd.s32 s14, s19;
	s25 =	sadd.s32 s14, s0  }
0x1e: {  	s26 =	sadd.s32 s15, s19;
	s0 =	sadd.s32 s15, s0;
	s14 =	smax.u32 s16, $0x1  }
0x1f: {  	s15 =	sshrl.u32 s18, $0x3;
	s16 =	sshrl.u32 s23, $0x3;
	s17 =	sshrl.u32 s20, $0x3  }
.Ltmp0:
0x20: {  	s18 =	simm.s32 $0x1C01;
	[dreg:$0x15] =	wrdreg s24;
	(pc) =	sbr.rel .LBB2_1-.Ltmp0, $4  }
0x21: {  	s19 =	simm.s32 $0x1C02;
	s20 =	simm.s32 $0x1;
	[dreg:$0x16] =	wrdreg s25  }
0x22: {  	s22 =	simm.s32 $0x1C03;
	s23 =	simm.s32 $0x2;
	[dreg:$0x17] =	wrdreg s26  }
0x23: {  	[dreg:$0x18] =	wrdreg s0;
	s24 =	simm.s32 $0x1C05;
	s25 =	simm.s32 $0x4  }
0x24: {  	s26 =	simm.s32 $0x3;
	s0 =	simm.s32 $0xC000;
	_ =	strace $0x80000047  }
.LBB2_3:
0x25: {  	s2 =	rddreg [dreg:$0x6]  }
0x26: {  	[spmem:s15], [sflag:s18] =	dma.local [hbm:s2], $0x8000  }
0x27: {  	s2 =	rddreg [dreg:$0x8]  }
0x28: {  	[spmem:s16], [sflag:s19] =	dma.local [hbm:s2], $0x8000  }
0x29: {  	_ =	swait.ge [sflag:s20], $0x8000  }
0x2a: {  	[sflag:s20] =	ssyncset.done $0x0  }
0x2b: {  	s2 =	rddreg [dreg:$0x9];
	[sflag:s20] =	ssyncadd.s32 $0xFFFF8000  }
0x2c: {  	[hbm:s2], [sflag:s21] =	dma.local [spmem:s15], $0x8000  }
0x2d: {  	s2 =	rddreg [dreg:$0xa]  }
0x2e: {  	[spmem:s17], [sflag:s22] =	dma.local [hbm:s2], $0x8000  }
0x2f: {  	_ =	swait.ge [sflag:s23], $0x8000  }
0x30: {  	[sflag:s23] =	ssyncset.done $0x0  }
0x31: {  	s2 =	rddreg [dreg:$0xb];
	[sflag:s23] =	ssyncadd.s32 $0xFFFF8000  }
0x32: {  	[hbm:s2], [sflag:s24] =	dma.local [spmem:s16], $0x8000  }
0x33: {  	_ =	swait.ge [sflag:s25], $0x8000  }
0x34: {  	[sflag:s25] =	ssyncset.done $0x0  }
0x35: {  	s2 =	rddreg [dreg:$0xc];
	[sflag:s25] =	ssyncadd.s32 $0xFFFF8000  }
0x36: {  	[spmem:s15], [sflag:s18] =	dma.local [hbm:s2], $0x8000  }
0x37: {  	_ =	swait.ge [sflag:s26], $0x8000  }
0x38: {  	[sflag:s26] =	ssyncset.done $0x0  }
0x39: {  	s2 =	rddreg [dreg:$0xd];
	[sflag:s26] =	ssyncadd.s32 $0xFFFF8000  }
0x3a: {  	[hbm:s2], [sflag:s28] =	dma.local [spmem:s17], $0x8000  }
0x3b: {  	_ =	swait.ge [sflag:s30], $0x8000  }
0x3c: {  	[sflag:s30] =	ssyncset.done $0x0  }
0x3d: {  	s2 =	rddreg [dreg:$0xf];
	[sflag:s30] =	ssyncadd.s32 $0xFFFF8000  }
0x3e: {  	[spmem:s16], [sflag:s19] =	dma.local [hbm:s2], $0x8000  }
0x3f: {  	_ =	swait.ge [sflag:s20], $0x8000  }
0x40: {  	[sflag:s20] =	ssyncset.done $0x0  }
0x41: {  	s2 =	rddreg [dreg:$0xe];
	[sflag:s20] =	ssyncadd.s32 $0xFFFF8000  }
0x42: {  	[hbm:s2], [sflag:s21] =	dma.local [spmem:s15], $0x8000  }
0x43: {  	_ =	swait.ge [sflag:s31], $0x8000  }
0x44: {  	[sflag:s31] =	ssyncset.done $0x0  }
0x45: {  	s2 =	rddreg [dreg:$0x11];
	[sflag:s31] =	ssyncadd.s32 $0xFFFF8000  }
0x46: {  	[spmem:s17], [sflag:s22] =	dma.local [hbm:s2], $0x8000  }
0x47: {  	_ =	swait.ge [sflag:s23], $0x8000  }
0x48: {  	[sflag:s23] =	ssyncset.done $0x0  }
0x49: {  	s2 =	rddreg [dreg:$0x10];
	[sflag:s23] =	ssyncadd.s32 $0xFFFF8000  }
0x4a: {  	[hbm:s2], [sflag:s24] =	dma.local [spmem:s16], $0x8000  }
0x4b: {  	_ =	swait.ge [sflag:s25], $0x8000  }
0x4c: {  	[sflag:s25] =	ssyncset.done $0x0  }
0x4d: {  	s2 =	rddreg [dreg:$0x13];
	[sflag:s25] =	ssyncadd.s32 $0xFFFF8000  }
0x4e: {  	[spmem:s15], [sflag:s18] =	dma.local [hbm:s2], $0x8000  }
0x4f: {  	_ =	swait.ge [sflag:s26], $0x8000  }
0x50: {  	[sflag:s26] =	ssyncset.done $0x0  }
0x51: {  	s2 =	rddreg [dreg:$0x12];
	[sflag:s26] =	ssyncadd.s32 $0xFFFF8000  }
0x52: {  	[hbm:s2], [sflag:s28] =	dma.local [spmem:s17], $0x8000  }
0x53: {  	_ =	swait.ge [sflag:s30], $0x8000  }
0x54: {  	[sflag:s30] =	ssyncset.done $0x0  }
0x55: {  	s2 =	rddreg [dreg:$0x15];
	[sflag:s30] =	ssyncadd.s32 $0xFFFF8000  }
0x56: {  	[spmem:s16], [sflag:s19] =	dma.local [hbm:s2], $0x8000  }
0x57: {  	_ =	swait.ge [sflag:s20], $0x8000  }
0x58: {  	[sflag:s20] =	ssyncset.done $0x0  }
0x59: {  	s2 =	rddreg [dreg:$0x14];
	[sflag:s20] =	ssyncadd.s32 $0xFFFF8000  }
0x5a: {  	[hbm:s2], [sflag:s21] =	dma.local [spmem:s15], $0x8000  }
0x5b: {  	_ =	swait.ge [sflag:s31], $0x8000  }
0x5c: {  	[sflag:s31] =	ssyncset.done $0x0  }
0x5d: {  	s2 =	rddreg [dreg:$0x16];
	[sflag:s31] =	ssyncadd.s32 $0xFFFF8000  }
0x5e: {  	[spmem:s17], [sflag:s22] =	dma.local [hbm:s2], $0x400  }
0x5f: {  	_ =	swait.ge [sflag:s23], $0x8000  }
0x60: {  	[sflag:s23] =	ssyncset.done $0x0  }
0x61: {  	s2 =	rddreg [dreg:$0x17];
	[sflag:s23] =	ssyncadd.s32 $0xFFFF8000  }
0x62: {  	[hbm:s2], [sflag:s24] =	dma.local [spmem:s16], $0x8000  }
0x63: {  	_ =	swait.ge [sflag:s26], $0x400  }
0x64: {  	[sflag:s26] =	ssyncset.done $0x0  }
0x65: {  	s2 =	rddreg [dreg:$0x18];
	[sflag:s26] =	ssyncadd.s32 $0xFFFFFC00  }
0x66: {  	[hbm:s2], [sflag:s28] =	dma.local [spmem:s17], $0x400  }
0x67: {  	_ =	swait.ge [sflag:s25], $0x8000  }
0x68: {  	[sflag:s25] =	ssyncset.done $0x0  }
0x69: {  	[sflag:s25] =	ssyncadd.s32 $0xFFFF8000  }
0x6a: {  	_ =	swait.ge [sflag:s30], $0x8000  }
0x6b: {  	[sflag:s30] =	ssyncset.done $0x0  }
0x6c: {  	[sflag:s30] =	ssyncadd.s32 $0xFFFF8000  }
0x6d: {  	_ =	swait.ge [sflag:s31], $0x400  }
0x6e: {  	[sflag:s31] =	ssyncset.done $0x0  }
0x6f: {  	[sflag:s31] =	ssyncadd.s32 $0xFFFFFC00  }
.LBB2_4:
0x70: {  	s14 =	sadd.s32 $0xFFFFFFFF, s14  }
0x71: {  	p1 =	sne.s32 s14, $0x0  }
.Ltmp1:
0x72: {  	_ = 	snop;
	(pc) =	sbr.rel @!p1 .LBB2_5-.Ltmp1, $1  }
0x73: {  	_ =	sdelay $0x3  }
.LBB2_1:
.Ltmp2:
0x74: {  	(pc) =	sbr.rel @p0 .LBB2_3-.Ltmp2, $1  }
0x75: {  	_ =	sdelay $0x3  }
0x76: {  	s2 =	rddreg [dreg:$0x7]  }
0x77: {  	[tilespmem:s1], [sflag:$0x1] =	stream.linear.gather [hbm4b:s2+s1], $0x6000, $0x38;
	[tilespmem:$0x1E000] =	vst v63  }
0x78: {  	_ = 	snop  }
0x79: {  	[tilespmem:s29], [sflag:$0x2] =	stream.linear.gather [hbm4b:s3+s1], $0x6000, $0x38;
	[tilespmem:$0x1E000] =	vst v63  }
0x7a: {  	_ =	swait.ge [sflag:s20], $0x6000  }
0x7b: {  	[sflag:s20] =	ssyncset.done $0x0  }
0x7c: {  	[sflag:s20] =	ssyncadd.s32 $0xFFFFA000  }
0x7d: {  	[hbm4b:s4+s1] =	stream.linear.scatter [tilespmem:s1], [sflag:$0x4], $0x6000, $0x38;
	[tilespmem:$0x1E000] =	vst v63  }
0x7e: {  	_ = 	snop  }
0x7f: {  	[tilespmem:s0], [sflag:$0x3] =	stream.linear.gather [hbm4b:s5+s1], $0x6000, $0x38;
	[tilespmem:$0x1E000] =	vst v63  }
0x80: {  	_ =	swait.ge [sflag:s23], $0x6000  }
0x81: {  	[sflag:s23] =	ssyncset.done $0x0  }
0x82: {  	[sflag:s23] =	ssyncadd.s32 $0xFFFFA000  }
0x83: {  	[hbm4b:s6+s1] =	stream.linear.scatter [tilespmem:s29], [sflag:$0x5], $0x6000, $0x38;
	[tilespmem:$0x1E000] =	vst v63  }
0x84: {  	_ =	swait.ge [sflag:s25], $0x6000  }
0x85: {  	[sflag:s25] =	ssyncset.done $0x0  }
0x86: {  	[sflag:s25] =	ssyncadd.s32 $0xFFFFA000  }
0x87: {  	[tilespmem:s1], [sflag:$0x1] =	stream.linear.gather [hbm4b:s7+s1], $0x6000, $0x38;
	[tilespmem:$0x1E000] =	vst v63  }
0x88: {  	_ =	swait.ge [sflag:s26], $0x6000  }
0x89: {  	[sflag:s26] =	ssyncset.done $0x0  }
0x8a: {  	[sflag:s26] =	ssyncadd.s32 $0xFFFFA000  }
0x8b: {  	[hbm4b:s8+s1] =	stream.linear.scatter [tilespmem:s0], [sflag:$0x6], $0x6000, $0x38;
	[tilespmem:$0x1E000] =	vst v63  }
0x8c: {  	_ =	swait.ge [sflag:s30], $0x6000  }
0x8d: {  	[sflag:s30] =	ssyncset.done $0x0  }
0x8e: {  	[sflag:s30] =	ssyncadd.s32 $0xFFFFA000  }
0x8f: {  	[tilespmem:s29], [sflag:$0x2] =	stream.linear.gather [hbm4b:s9+s1], $0x6000, $0x38;
	[tilespmem:$0x1E000] =	vst v63  }
0x90: {  	_ =	swait.ge [sflag:s20], $0x6000  }
0x91: {  	[sflag:s20] =	ssyncset.done $0x0  }
0x92: {  	[sflag:s20] =	ssyncadd.s32 $0xFFFFA000  }
0x93: {  	[hbm4b:s10+s1] =	stream.linear.scatter [tilespmem:s1], [sflag:$0x4], $0x6000, $0x38;
	[tilespmem:$0x1E000] =	vst v63  }
0x94: {  	_ =	swait.ge [sflag:s31], $0x6000  }
0x95: {  	[sflag:s31] =	ssyncset.done $0x0  }
0x96: {  	[sflag:s31] =	ssyncadd.s32 $0xFFFFA000  }
0x97: {  	[tilespmem:s0], [sflag:$0x3] =	stream.linear.gather [hbm4b:s11+s1], $0x4000, $0x38;
	[tilespmem:$0x1E000] =	vst v63  }
0x98: {  	_ =	swait.ge [sflag:s23], $0x6000  }
0x99: {  	[sflag:s23] =	ssyncset.done $0x0  }
0x9a: {  	[sflag:s23] =	ssyncadd.s32 $0xFFFFA000  }
0x9b: {  	[hbm4b:s12+s1] =	stream.linear.scatter [tilespmem:s29], [sflag:$0x5], $0x6000, $0x38;
	[tilespmem:$0x1E000] =	vst v63  }
0x9c: {  	_ =	swait.ge [sflag:s26], $0x4000  }
0x9d: {  	[sflag:s26] =	ssyncset.done $0x0  }
0x9e: {  	[sflag:s26] =	ssyncadd.s32 $0xFFFFC000  }
0x9f: {  	[hbm4b:s13+s1] =	stream.linear.scatter [tilespmem:s0], [sflag:$0x6], $0x4000, $0x38;
	[tilespmem:$0x1E000] =	vst v63  }
0xa0: {  	_ =	swait.ge [sflag:s25], $0x6000  }
0xa1: {  	[sflag:s25] =	ssyncset.done $0x0  }
0xa2: {  	[sflag:s25] =	ssyncadd.s32 $0xFFFFA000  }
0xa3: {  	_ =	swait.ge [sflag:s30], $0x6000  }
.Ltmp3:
0xa4: {  	[sflag:s30] =	ssyncset.done $0x0;
	(pc) =	sbr.rel .LBB2_4-.Ltmp3, $4  }
0xa5: {  	[sflag:s30] =	ssyncadd.s32 $0xFFFFA000  }
0xa6: {  	_ =	swait.ge [sflag:s31], $0x4000  }
0xa7: {  	[sflag:s31] =	ssyncset.done $0x0  }
0xa8: {  	[sflag:s31] =	ssyncadd.s32 $0xFFFFC000  }
.LBB2_5:
0xa9: {  	_ =	sfence.sel $0x180000  }
0xaa: {  	[bflag:$0x0] =	sbarrier.arrive $0xFFFF  }
0xab: {  	_ =	strace $0x90000047  }
0xac: {  	s0 =	stileid.u32;
	[bflag:$0x2] =	sbarrier.arrive $0xFFFF  }
0xad: {  	p0 =	sne.s32 s0, $0x0;
	s0 =	rddreg [dreg:$0x5]  }
0xae: {  	s0 =	sadd.s32 @!p0 $0x100000, s0  }
0xaf: {  	[sflag:s0] =	ssyncadd.tile.s32 @!p0 $0x1;
	_ =	shalt  }
.Lfunc_end2:
_tile_overlayer_lowered:
.L_overlay_start_2:
0xb0: {  	(tag) =	ssettag $0x2  }
0xb1: {  	s0 =	rddreg [dreg:$0x0];
	s2 =	stileid.u32  }
0xb2: {  	s1 =	rddreg [dreg:$0x1];
	p0 =	sne.s32 s2, $0x0  }
0xb3: {  	s3 =	rddreg [dreg:$0x2];
	[bflag:$0x3] =	sbarrier.arrive $0xFFFF;
	s2 =	simm.s32 @!p0 $0x1C07  }
0xb4: {  	[timem:s3], [sflag:s2] =	dma.local @!p0 [hbm:s0], s1  }
0xb5: {  	s0 =	simm.s32 @!p0 $0x7  }
0xb6: {  	_ =	swait.ge @!p0 [sflag:s0], s1  }
0xb7: {  	s1 =	ssub.s32 @!p0 $0x0, s1;
	[sflag:s0] =	ssyncset.done @!p0 $0x0  }
0xb8: {  	[sflag:s0] =	ssyncadd.s32 @!p0 s1  }
0xb9: {  	[bflag:$0x3] =	sbarrier.arrive $0xFFFF  }
0xba: {  	_ =	shalt  }

</sc_bundles>
